<compile_context>
chip_gen: v7x
topology: tpu7x:2x2x1
jax: 0.10.2.dev20260603
libtpu: 0.0.44.dev20260713+nightly
codegen_flags: <defaults>
</compile_context>

<pallas_src>
import jax
import jax.numpy as jnp
from jax import lax
from jax.experimental import pallas as pl
from jax.experimental.pallas import tpu as pltpu
from jax.experimental.pallas import tpu_sc as plsc

_N = 65536
_C = 1000
_NB = 20

_BRM = 512
_NBUF = 6


def _tc_body(x_hbm, lab_ref, conf_ref, acc_ref, x_vmem, sems):
    i = pl.program_id(0)
    nblk = pl.num_programs(0)

    def start(blk, slot):
        pltpu.make_async_copy(
            x_hbm.at[pl.ds(blk * _BRM, _BRM), :],
            x_vmem.at[slot],
            sems.at[slot],
        ).start()

    @pl.when(i == 0)
    def _prologue():
        for k in range(_NBUF - 1):
            start(k, k)

    nxt = i + _NBUF - 1

    @pl.when(nxt < nblk)
    def _issue():
        start(nxt, nxt % _NBUF)

    slot = i % _NBUF
    pltpu.make_async_copy(
        x_hbm.at[pl.ds(i * _BRM, _BRM), :], x_vmem.at[slot], sems.at[slot]
    ).wait()

    x = x_vmem[slot]
    conf = jnp.max(x, axis=1)
    ids = lax.broadcasted_iota(jnp.int32, (_BRM, _C), 1)
    masked = jnp.where(x == conf[:, None], ids, _C)
    pred = jnp.min(masked, axis=1)
    conf_ref[...] = conf
    acc_ref[...] = (pred == lab_ref[...]).astype(jnp.float32)


def _tc_stage(outputs, labels):
    return pl.pallas_call(
        _tc_body,
        grid=(_N // _BRM,),
        in_specs=[
            pl.BlockSpec(memory_space=pl.MemorySpace.ANY),
            pl.BlockSpec((_BRM,), lambda i: (i,)),
        ],
        out_specs=[
            pl.BlockSpec((_BRM,), lambda i: (i,)),
            pl.BlockSpec((_BRM,), lambda i: (i,)),
        ],
        out_shape=[
            jax.ShapeDtypeStruct((_N,), jnp.float32),
            jax.ShapeDtypeStruct((_N,), jnp.float32),
        ],
        scratch_shapes=[
            pltpu.VMEM((_NBUF, _BRM, _C), jnp.float32),
            pltpu.SemaphoreType.DMA((_NBUF,)),
        ],
    )(outputs, labels)


_NW = 32
_PW = _N // _NW
_L = 16


def _sc_body(conf_hbm, acc_hbm, bnd_hbm, part_hbm, conf_v, acc_v, bnd_v,
             accum):
    c = lax.axis_index("c")
    s = lax.axis_index("s")
    w = s * 2 + c
    base = w * _PW

    pltpu.sync_copy(conf_hbm.at[pl.ds(base, _PW)], conf_v)
    pltpu.sync_copy(acc_hbm.at[pl.ds(base, _PW)], acc_v)
    pltpu.sync_copy(bnd_hbm, bnd_v)

    zeros = jnp.zeros((_L,), jnp.float32)
    ones = jnp.ones((_L,), jnp.float32)
    for b in range(_NB):
        for q in range(3):
            accum[0, b, q] = zeros

    bv0 = bnd_v[pl.ds(0, _L)]
    bv1 = bnd_v[pl.ds(_L, _L)]
    bs = [bv0[j] for j in range(_L)] + [bv1[j] for j in range(_NB + 1 - _L)]

    def step(i, carry):
        cv = conf_v[pl.ds(i * _L, _L)]
        av = acc_v[pl.ds(i * _L, _L)]
        for b in range(_NB):
            m = (cv > bs[b]) & (cv <= bs[b + 1])
            plsc.addupdate(accum.at[0, b, 0], jnp.where(m, ones, zeros))
            plsc.addupdate(accum.at[0, b, 1], jnp.where(m, cv, zeros))
            plsc.addupdate(accum.at[0, b, 2], jnp.where(m, av, zeros))
        return carry

    lax.fori_loop(0, _PW // _L, step, 0)

    pltpu.sync_copy(accum, part_hbm.at[pl.ds(w, 1)])


def _sc_stage(conf, acc, boundaries):
    mesh = plsc.VectorSubcoreMesh(core_axis_name="c", subcore_axis_name="s")
    return pl.kernel(
        _sc_body,
        out_type=jax.ShapeDtypeStruct((_NW, _NB, 3, _L), jnp.float32),
        mesh=mesh,
        scratch_types=[
            pltpu.VMEM((_PW,), jnp.float32),
            pltpu.VMEM((_PW,), jnp.float32),
            pltpu.VMEM((32,), jnp.float32),
            pltpu.VMEM((1, _NB, 3, _L), jnp.float32),
        ],
    )(conf, acc, boundaries)


@jax.jit
def kernel(outputs, labels):
    conf, acc = _tc_stage(outputs, labels)
    boundaries = jnp.linspace(0.0, 1.0, _NB + 1)
    bnd = jnp.concatenate([boundaries, jnp.full((32 - _NB - 1,), 2.0,
                                                jnp.float32)])
    parts = _sc_stage(conf, acc, bnd)
    sums = jnp.sum(parts, axis=(0, 3))
    cnt = sums[:, 0]
    conf_s = sums[:, 1]
    acc_s = sums[:, 2]
    safe = jnp.maximum(cnt, 1.0)
    acc_in_bin = jnp.where(cnt > 0, acc_s / safe, 0.0)
    conf_in_bin = jnp.where(cnt > 0, conf_s / safe, 0.0)
    ece = jnp.sum(jnp.abs(conf_in_bin - acc_in_bin) * (cnt / _N))
    return ece.reshape(1)

# --- scband reference (transcript-rebuilt; emitter-appended) ---
"""Pipeline reference for scband-eceloss-38139309588817 (READ-ONLY COPY).

The authoritative reference and input builder live on the scoring server;
editing this copy changes nothing except your own understanding.
"""

import jax, jax.numpy as jnp
import numpy as np

N_BINS = 20
N = 65536
C = 1000

def setup_inputs(seed: int = 0) -> dict:
    key = jax.random.key(seed)
    k1, k2 = jax.random.split(key)
    outputs = jax.random.uniform(k1, (N, C), dtype=jnp.float32)
    labels = jax.random.randint(k2, (N,), 0, C, dtype=jnp.int32)
    return {"outputs": outputs, "labels": labels}

def reference(outputs, labels):
    # logits=False path: outputs are treated as softmax probabilities
    confidences = jnp.max(outputs, axis=1)
    predictions = jnp.argmax(outputs, axis=1)
    accuracies = (predictions == labels).astype(jnp.float32)
    boundaries = jnp.linspace(0.0, 1.0, N_BINS + 1)
    n = confidences.shape[0]
    ece = jnp.zeros((1,), dtype=outputs.dtype)
    for i in range(N_BINS):
        bin_lower = boundaries[i]
        bin_upper = boundaries[i + 1]
        in_bin = (confidences > bin_lower) & (confidences <= bin_upper)
        in_bin_f = in_bin.astype(jnp.float32)
        count = jnp.sum(in_bin_f)
        prop_in_bin = count / n
        safe_count = jnp.maximum(count, 1.0)
        accuracy_in_bin = jnp.where(count > 0, jnp.sum(accuracies * in_bin_f) / safe_count, 0.0)
        avg_confidence_in_bin = jnp.where(count > 0, jnp.sum(confidences * in_bin_f) / safe_count, 0.0)
        ece = ece + jnp.abs(avg_confidence_in_bin - accuracy_in_bin) * prop_in_bin
    return ece

if __name__ == "__main__":
    import jax
    _d = setup_inputs()
    print(jax.jit(kernel)(*tuple(_d.values())))

</pallas_src>

<mosaic_0001>
#map = affine_map<(d0, d1) -> (0)>
#map1 = affine_map<(d0, d1) -> (0, 0, 0, 0)>
module attributes {stable_mosaic.version = 14 : i64} {
  func.func @_sc_body(%arg0: i32, %arg1: i32, %arg2: memref<65536xf32, #tpu.memory_space<hbm>>, %arg3: memref<65536xf32, #tpu.memory_space<hbm>>, %arg4: memref<32xf32, #tpu.memory_space<hbm>>, %arg5: memref<32x20x3x16xf32, #tpu.memory_space<hbm>>, %arg6: memref<2048xf32, #tpu.memory_space<vmem>>, %arg7: memref<2048xf32, #tpu.memory_space<vmem>>, %arg8: memref<32xf32, #tpu.memory_space<vmem>>, %arg9: memref<1x20x3x16xf32, #tpu.memory_space<vmem>>) attributes {dimension_semantics = [#tpu.dimension_semantics<core_parallel>, #tpu.dimension_semantics<subcore_parallel>], iteration_bounds = array<i64: 2, 16>, scalar_prefetch = 0 : i64, scratch_operands = 4 : i64, tpu.core_type = #tpu.core_type<sc_vector_subcore>, window_params = [{transform_indices = #map}, {transform_indices = #map}, {transform_indices = #map}, {transform_indices = #map1}]} {
    %mul3A = arith.constant 2 : i32
    %mul3A_0 = arith.muli %arg1, %mul3A : i32
    %add3A = arith.addi %mul3A_0, %arg0 : i32
    %mul3A_1 = arith.constant 2048 : i32
    %mul3A_2 = arith.muli %add3A, %mul3A_1 : i32
    "tpu.region"() ({
      %run_scoped3A = tpu.sem_alloc : memref<!tpu.dma_semaphore, #tpu.memory_space<semaphore_mem>>
      %dma_start3A = tpu.memref_slice %arg2[%mul3A_2] : memref<65536xf32, #tpu.memory_space<hbm>> -> memref<2048xf32, #tpu.memory_space<hbm>>
      %dma_start3A_655 = tpu.memref_slice %arg2[%mul3A_2] : memref<65536xf32, #tpu.memory_space<hbm>> -> memref<2048xf32, #tpu.memory_space<hbm>>
      tpu.enqueue_dma source(%dma_start3A_655 : memref<2048xf32, #tpu.memory_space<hbm>>) target(%arg6 : memref<2048xf32, #tpu.memory_space<vmem>>) target_semaphore(%run_scoped3A : memref<!tpu.dma_semaphore, #tpu.memory_space<semaphore_mem>>)
      %dma_wait3A = tpu.memref_slice %arg2[%mul3A_2] : memref<65536xf32, #tpu.memory_space<hbm>> -> memref<2048xf32, #tpu.memory_space<hbm>>
      %dma_wait3A_656 = tpu.memref_slice %arg2[%mul3A_2] : memref<65536xf32, #tpu.memory_space<hbm>> -> memref<2048xf32, #tpu.memory_space<hbm>>
      tpu.wait_dma2 semaphore(%run_scoped3A : memref<!tpu.dma_semaphore, #tpu.memory_space<semaphore_mem>>) src(%dma_wait3A_656 : memref<2048xf32, #tpu.memory_space<hbm>>) dst(%arg6 : memref<2048xf32, #tpu.memory_space<vmem>>)
      tpu.yield
    }) : () -> ()
    "tpu.region"() ({
      %run_scoped3A = tpu.sem_alloc : memref<!tpu.dma_semaphore, #tpu.memory_space<semaphore_mem>>
      %dma_start3A = tpu.memref_slice %arg3[%mul3A_2] : memref<65536xf32, #tpu.memory_space<hbm>> -> memref<2048xf32, #tpu.memory_space<hbm>>
      %dma_start3A_655 = tpu.memref_slice %arg3[%mul3A_2] : memref<65536xf32, #tpu.memory_space<hbm>> -> memref<2048xf32, #tpu.memory_space<hbm>>
      tpu.enqueue_dma source(%dma_start3A_655 : memref<2048xf32, #tpu.memory_space<hbm>>) target(%arg7 : memref<2048xf32, #tpu.memory_space<vmem>>) target_semaphore(%run_scoped3A : memref<!tpu.dma_semaphore, #tpu.memory_space<semaphore_mem>>)
      %dma_wait3A = tpu.memref_slice %arg3[%mul3A_2] : memref<65536xf32, #tpu.memory_space<hbm>> -> memref<2048xf32, #tpu.memory_space<hbm>>
      %dma_wait3A_656 = tpu.memref_slice %arg3[%mul3A_2] : memref<65536xf32, #tpu.memory_space<hbm>> -> memref<2048xf32, #tpu.memory_space<hbm>>
      tpu.wait_dma2 semaphore(%run_scoped3A : memref<!tpu.dma_semaphore, #tpu.memory_space<semaphore_mem>>) src(%dma_wait3A_656 : memref<2048xf32, #tpu.memory_space<hbm>>) dst(%arg7 : memref<2048xf32, #tpu.memory_space<vmem>>)
      tpu.yield
    }) : () -> ()
    "tpu.region"() ({
      %run_scoped3A = tpu.sem_alloc : memref<!tpu.dma_semaphore, #tpu.memory_space<semaphore_mem>>
      tpu.enqueue_dma source(%arg4 : memref<32xf32, #tpu.memory_space<hbm>>) target(%arg8 : memref<32xf32, #tpu.memory_space<vmem>>) target_semaphore(%run_scoped3A : memref<!tpu.dma_semaphore, #tpu.memory_space<semaphore_mem>>)
      tpu.wait_dma2 semaphore(%run_scoped3A : memref<!tpu.dma_semaphore, #tpu.memory_space<semaphore_mem>>) src(%arg4 : memref<32xf32, #tpu.memory_space<hbm>>) dst(%arg8 : memref<32xf32, #tpu.memory_space<vmem>>)
      tpu.yield
    }) : () -> ()
    %broadcast_in_dim3A = arith.constant 0.000000e+00 : f32
    %broadcast_in_dim3A_3 = vector.broadcast %broadcast_in_dim3A : f32 to vector<16xf32>
    %broadcast_in_dim3A_4 = arith.constant 1.000000e+00 : f32
    %broadcast_in_dim3A_5 = vector.broadcast %broadcast_in_dim3A_4 : f32 to vector<16xf32>
    %swap3A = arith.constant 0 : i32
    %swap3A_6 = arith.constant 0 : i32
    %swap3A_7 = arith.constant 0 : i32
    %swap3A_8 = arith.index_cast %swap3A : i32 to index
    %swap3A_9 = arith.index_cast %swap3A_6 : i32 to index
    %swap3A_10 = arith.index_cast %swap3A_7 : i32 to index
    %swap3A_11 = arith.constant 0 : index
    %swap3A_12 = tpu.vector_load %arg9[%swap3A_8, %swap3A_9, %swap3A_10, %swap3A_11] {strides = array<i32>} : memref<1x20x3x16xf32, #tpu.memory_space<vmem>>, vector<1x1x1x16xf32>,
    %swap3A_13 = vector.shape_cast %swap3A_12 : vector<1x1x1x16xf32> to vector<16xf32>
    %swap3A_14 = vector.shape_cast %broadcast_in_dim3A_3 : vector<16xf32> to vector<1x1x1x16xf32>
    tpu.vector_store %arg9[%swap3A_8, %swap3A_9, %swap3A_10, %swap3A_11], %swap3A_14 {strides = array<i32>} : memref<1x20x3x16xf32, #tpu.memory_space<vmem>>, vector<1x1x1x16xf32>,
    %swap3A_15 = arith.constant 0 : i32
    %swap3A_16 = arith.constant 0 : i32
    %swap3A_17 = arith.constant 1 : i32
    %swap3A_18 = arith.index_cast %swap3A_15 : i32 to index
    %swap3A_19 = arith.index_cast %swap3A_16 : i32 to index
    %swap3A_20 = arith.index_cast %swap3A_17 : i32 to index
    %swap3A_21 = arith.constant 0 : index
    %swap3A_22 = tpu.vector_load %arg9[%swap3A_18, %swap3A_19, %swap3A_20, %swap3A_21] {strides = array<i32>} : memref<1x20x3x16xf32, #tpu.memory_space<vmem>>, vector<1x1x1x16xf32>,
    %swap3A_23 = vector.shape_cast %swap3A_22 : vector<1x1x1x16xf32> to vector<16xf32>
    %swap3A_24 = vector.shape_cast %broadcast_in_dim3A_3 : vector<16xf32> to vector<1x1x1x16xf32>
    tpu.vector_store %arg9[%swap3A_18, %swap3A_19, %swap3A_20, %swap3A_21], %swap3A_24 {strides = array<i32>} : memref<1x20x3x16xf32, #tpu.memory_space<vmem>>, vector<1x1x1x16xf32>,
    %swap3A_25 = arith.constant 0 : i32
    %swap3A_26 = arith.constant 0 : i32
    %swap3A_27 = arith.constant 2 : i32
    %swap3A_28 = arith.index_cast %swap3A_25 : i32 to index
    %swap3A_29 = arith.index_cast %swap3A_26 : i32 to index
    %swap3A_30 = arith.index_cast %swap3A_27 : i32 to index
    %swap3A_31 = arith.constant 0 : index
    %swap3A_32 = tpu.vector_load %arg9[%swap3A_28, %swap3A_29, %swap3A_30, %swap3A_31] {strides = array<i32>} : memref<1x20x3x16xf32, #tpu.memory_space<vmem>>, vector<1x1x1x16xf32>,
    %swap3A_33 = vector.shape_cast %swap3A_32 : vector<1x1x1x16xf32> to vector<16xf32>
    %swap3A_34 = vector.shape_cast %broadcast_in_dim3A_3 : vector<16xf32> to vector<1x1x1x16xf32>
    tpu.vector_store %arg9[%swap3A_28, %swap3A_29, %swap3A_30, %swap3A_31], %swap3A_34 {strides = array<i32>} : memref<1x20x3x16xf32, #tpu.memory_space<vmem>>, vector<1x1x1x16xf32>,
    %swap3A_35 = arith.constant 0 : i32
    %swap3A_36 = arith.constant 1 : i32
    %swap3A_37 = arith.constant 0 : i32
    %swap3A_38 = arith.index_cast %swap3A_35 : i32 to index
    %swap3A_39 = arith.index_cast %swap3A_36 : i32 to index
    %swap3A_40 = arith.index_cast %swap3A_37 : i32 to index
    %swap3A_41 = arith.constant 0 : index
    %swap3A_42 = tpu.vector_load %arg9[%swap3A_38, %swap3A_39, %swap3A_40, %swap3A_41] {strides = array<i32>} : memref<1x20x3x16xf32, #tpu.memory_space<vmem>>, vector<1x1x1x16xf32>,
    %swap3A_43 = vector.shape_cast %swap3A_42 : vector<1x1x1x16xf32> to vector<16xf32>
    %swap3A_44 = vector.shape_cast %broadcast_in_dim3A_3 : vector<16xf32> to vector<1x1x1x16xf32>
    tpu.vector_store %arg9[%swap3A_38, %swap3A_39, %swap3A_40, %swap3A_41], %swap3A_44 {strides = array<i32>} : memref<1x20x3x16xf32, #tpu.memory_space<vmem>>, vector<1x1x1x16xf32>,
    %swap3A_45 = arith.constant 0 : i32
    %swap3A_46 = arith.constant 1 : i32
    %swap3A_47 = arith.constant 1 : i32
    %swap3A_48 = arith.index_cast %swap3A_45 : i32 to index
    %swap3A_49 = arith.index_cast %swap3A_46 : i32 to index
    %swap3A_50 = arith.index_cast %swap3A_47 : i32 to index
    %swap3A_51 = arith.constant 0 : index
    %swap3A_52 = tpu.vector_load %arg9[%swap3A_48, %swap3A_49, %swap3A_50, %swap3A_51] {strides = array<i32>} : memref<1x20x3x16xf32, #tpu.memory_space<vmem>>, vector<1x1x1x16xf32>,
    %swap3A_53 = vector.shape_cast %swap3A_52 : vector<1x1x1x16xf32> to vector<16xf32>
    %swap3A_54 = vector.shape_cast %broadcast_in_dim3A_3 : vector<16xf32> to vector<1x1x1x16xf32>
    tpu.vector_store %arg9[%swap3A_48, %swap3A_49, %swap3A_50, %swap3A_51], %swap3A_54 {strides = array<i32>} : memref<1x20x3x16xf32, #tpu.memory_space<vmem>>, vector<1x1x1x16xf32>,
    %swap3A_55 = arith.constant 0 : i32
    %swap3A_56 = arith.constant 1 : i32
    %swap3A_57 = arith.constant 2 : i32
    %swap3A_58 = arith.index_cast %swap3A_55 : i32 to index
    %swap3A_59 = arith.index_cast %swap3A_56 : i32 to index
    %swap3A_60 = arith.index_cast %swap3A_57 : i32 to index
    %swap3A_61 = arith.constant 0 : index
    %swap3A_62 = tpu.vector_load %arg9[%swap3A_58, %swap3A_59, %swap3A_60, %swap3A_61] {strides = array<i32>} : memref<1x20x3x16xf32, #tpu.memory_space<vmem>>, vector<1x1x1x16xf32>,
    %swap3A_63 = vector.shape_cast %swap3A_62 : vector<1x1x1x16xf32> to vector<16xf32>
    %swap3A_64 = vector.shape_cast %broadcast_in_dim3A_3 : vector<16xf32> to vector<1x1x1x16xf32>
    tpu.vector_store %arg9[%swap3A_58, %swap3A_59, %swap3A_60, %swap3A_61], %swap3A_64 {strides = array<i32>} : memref<1x20x3x16xf32, #tpu.memory_space<vmem>>, vector<1x1x1x16xf32>,
    %swap3A_65 = arith.constant 0 : i32
    %swap3A_66 = arith.constant 2 : i32
    %swap3A_67 = arith.constant 0 : i32
    %swap3A_68 = arith.index_cast %swap3A_65 : i32 to index
    %swap3A_69 = arith.index_cast %swap3A_66 : i32 to index
    %swap3A_70 = arith.index_cast %swap3A_67 : i32 to index
    %swap3A_71 = arith.constant 0 : index
    %swap3A_72 = tpu.vector_load %arg9[%swap3A_68, %swap3A_69, %swap3A_70, %swap3A_71] {strides = array<i32>} : memref<1x20x3x16xf32, #tpu.memory_space<vmem>>, vector<1x1x1x16xf32>,
    %swap3A_73 = vector.shape_cast %swap3A_72 : vector<1x1x1x16xf32> to vector<16xf32>
    %swap3A_74 = vector.shape_cast %broadcast_in_dim3A_3 : vector<16xf32> to vector<1x1x1x16xf32>
    tpu.vector_store %arg9[%swap3A_68, %swap3A_69, %swap3A_70, %swap3A_71], %swap3A_74 {strides = array<i32>} : memref<1x20x3x16xf32, #tpu.memory_space<vmem>>, vector<1x1x1x16xf32>,
    %swap3A_75 = arith.constant 0 : i32
    %swap3A_76 = arith.constant 2 : i32
    %swap3A_77 = arith.constant 1 : i32
    %swap3A_78 = arith.index_cast %swap3A_75 : i32 to index
    %swap3A_79 = arith.index_cast %swap3A_76 : i32 to index
    %swap3A_80 = arith.index_cast %swap3A_77 : i32 to index
    %swap3A_81 = arith.constant 0 : index
    %swap3A_82 = tpu.vector_load %arg9[%swap3A_78, %swap3A_79, %swap3A_80, %swap3A_81] {strides = array<i32>} : memref<1x20x3x16xf32, #tpu.memory_space<vmem>>, vector<1x1x1x16xf32>,
    %swap3A_83 = vector.shape_cast %swap3A_82 : vector<1x1x1x16xf32> to vector<16xf32>
    %swap3A_84 = vector.shape_cast %broadcast_in_dim3A_3 : vector<16xf32> to vector<1x1x1x16xf32>
    tpu.vector_store %arg9[%swap3A_78, %swap3A_79, %swap3A_80, %swap3A_81], %swap3A_84 {strides = array<i32>} : memref<1x20x3x16xf32, #tpu.memory_space<vmem>>, vector<1x1x1x16xf32>,
    %swap3A_85 = arith.constant 0 : i32
    %swap3A_86 = arith.constant 2 : i32
    %swap3A_87 = arith.constant 2 : i32
    %swap3A_88 = arith.index_cast %swap3A_85 : i32 to index
    %swap3A_89 = arith.index_cast %swap3A_86 : i32 to index
    %swap3A_90 = arith.index_cast %swap3A_87 : i32 to index
    %swap3A_91 = arith.constant 0 : index
    %swap3A_92 = tpu.vector_load %arg9[%swap3A_88, %swap3A_89, %swap3A_90, %swap3A_91] {strides = array<i32>} : memref<1x20x3x16xf32, #tpu.memory_space<vmem>>, vector<1x1x1x16xf32>,
    %swap3A_93 = vector.shape_cast %swap3A_92 : vector<1x1x1x16xf32> to vector<16xf32>
    %swap3A_94 = vector.shape_cast %broadcast_in_dim3A_3 : vector<16xf32> to vector<1x1x1x16xf32>
    tpu.vector_store %arg9[%swap3A_88, %swap3A_89, %swap3A_90, %swap3A_91], %swap3A_94 {strides = array<i32>} : memref<1x20x3x16xf32, #tpu.memory_space<vmem>>, vector<1x1x1x16xf32>,
    %swap3A_95 = arith.constant 0 : i32
    %swap3A_96 = arith.constant 3 : i32
    %swap3A_97 = arith.constant 0 : i32
    %swap3A_98 = arith.index_cast %swap3A_95 : i32 to index
    %swap3A_99 = arith.index_cast %swap3A_96 : i32 to index
    %swap3A_100 = arith.index_cast %swap3A_97 : i32 to index
    %swap3A_101 = arith.constant 0 : index
    %swap3A_102 = tpu.vector_load %arg9[%swap3A_98, %swap3A_99, %swap3A_100, %swap3A_101] {strides = array<i32>} : memref<1x20x3x16xf32, #tpu.memory_space<vmem>>, vector<1x1x1x16xf32>,
    %swap3A_103 = vector.shape_cast %swap3A_102 : vector<1x1x1x16xf32> to vector<16xf32>
    %swap3A_104 = vector.shape_cast %broadcast_in_dim3A_3 : vector<16xf32> to vector<1x1x1x16xf32>
    tpu.vector_store %arg9[%swap3A_98, %swap3A_99, %swap3A_100, %swap3A_101], %swap3A_104 {strides = array<i32>} : memref<1x20x3x16xf32, #tpu.memory_space<vmem>>, vector<1x1x1x16xf32>,
    %swap3A_105 = arith.constant 0 : i32
    %swap3A_106 = arith.constant 3 : i32
    %swap3A_107 = arith.constant 1 : i32
    %swap3A_108 = arith.index_cast %swap3A_105 : i32 to index
    %swap3A_109 = arith.index_cast %swap3A_106 : i32 to index
    %swap3A_110 = arith.index_cast %swap3A_107 : i32 to index
    %swap3A_111 = arith.constant 0 : index
    %swap3A_112 = tpu.vector_load %arg9[%swap3A_108, %swap3A_109, %swap3A_110, %swap3A_111] {strides = array<i32>} : memref<1x20x3x16xf32, #tpu.memory_space<vmem>>, vector<1x1x1x16xf32>,
    %swap3A_113 = vector.shape_cast %swap3A_112 : vector<1x1x1x16xf32> to vector<16xf32>
    %swap3A_114 = vector.shape_cast %broadcast_in_dim3A_3 : vector<16xf32> to vector<1x1x1x16xf32>
    tpu.vector_store %arg9[%swap3A_108, %swap3A_109, %swap3A_110, %swap3A_111], %swap3A_114 {strides = array<i32>} : memref<1x20x3x16xf32, #tpu.memory_space<vmem>>, vector<1x1x1x16xf32>,
    %swap3A_115 = arith.constant 0 : i32
    %swap3A_116 = arith.constant 3 : i32
    %swap3A_117 = arith.constant 2 : i32
    %swap3A_118 = arith.index_cast %swap3A_115 : i32 to index
    %swap3A_119 = arith.index_cast %swap3A_116 : i32 to index
    %swap3A_120 = arith.index_cast %swap3A_117 : i32 to index
    %swap3A_121 = arith.constant 0 : index
    %swap3A_122 = tpu.vector_load %arg9[%swap3A_118, %swap3A_119, %swap3A_120, %swap3A_121] {strides = array<i32>} : memref<1x20x3x16xf32, #tpu.memory_space<vmem>>, vector<1x1x1x16xf32>,
    %swap3A_123 = vector.shape_cast %swap3A_122 : vector<1x1x1x16xf32> to vector<16xf32>
    %swap3A_124 = vector.shape_cast %broadcast_in_dim3A_3 : vector<16xf32> to vector<1x1x1x16xf32>
    tpu.vector_store %arg9[%swap3A_118, %swap3A_119, %swap3A_120, %swap3A_121], %swap3A_124 {strides = array<i32>} : memref<1x20x3x16xf32, #tpu.memory_space<vmem>>, vector<1x1x1x16xf32>,
    %swap3A_125 = arith.constant 0 : i32
    %swap3A_126 = arith.constant 4 : i32
    %swap3A_127 = arith.constant 0 : i32
    %swap3A_128 = arith.index_cast %swap3A_125 : i32 to index
    %swap3A_129 = arith.index_cast %swap3A_126 : i32 to index
    %swap3A_130 = arith.index_cast %swap3A_127 : i32 to index
    %swap3A_131 = arith.constant 0 : index
    %swap3A_132 = tpu.vector_load %arg9[%swap3A_128, %swap3A_129, %swap3A_130, %swap3A_131] {strides = array<i32>} : memref<1x20x3x16xf32, #tpu.memory_space<vmem>>, vector<1x1x1x16xf32>,
    %swap3A_133 = vector.shape_cast %swap3A_132 : vector<1x1x1x16xf32> to vector<16xf32>
    %swap3A_134 = vector.shape_cast %broadcast_in_dim3A_3 : vector<16xf32> to vector<1x1x1x16xf32>
    tpu.vector_store %arg9[%swap3A_128, %swap3A_129, %swap3A_130, %swap3A_131], %swap3A_134 {strides = array<i32>} : memref<1x20x3x16xf32, #tpu.memory_space<vmem>>, vector<1x1x1x16xf32>,
    %swap3A_135 = arith.constant 0 : i32
    %swap3A_136 = arith.constant 4 : i32
    %swap3A_137 = arith.constant 1 : i32
    %swap3A_138 = arith.index_cast %swap3A_135 : i32 to index
    %swap3A_139 = arith.index_cast %swap3A_136 : i32 to index
    %swap3A_140 = arith.index_cast %swap3A_137 : i32 to index
    %swap3A_141 = arith.constant 0 : index
    %swap3A_142 = tpu.vector_load %arg9[%swap3A_138, %swap3A_139, %swap3A_140, %swap3A_141] {strides = array<i32>} : memref<1x20x3x16xf32, #tpu.memory_space<vmem>>, vector<1x1x1x16xf32>,
    %swap3A_143 = vector.shape_cast %swap3A_142 : vector<1x1x1x16xf32> to vector<16xf32>
    %swap3A_144 = vector.shape_cast %broadcast_in_dim3A_3 : vector<16xf32> to vector<1x1x1x16xf32>
    tpu.vector_store %arg9[%swap3A_138, %swap3A_139, %swap3A_140, %swap3A_141], %swap3A_144 {strides = array<i32>} : memref<1x20x3x16xf32, #tpu.memory_space<vmem>>, vector<1x1x1x16xf32>,
    %swap3A_145 = arith.constant 0 : i32
    %swap3A_146 = arith.constant 4 : i32
    %swap3A_147 = arith.constant 2 : i32
    %swap3A_148 = arith.index_cast %swap3A_145 : i32 to index
    %swap3A_149 = arith.index_cast %swap3A_146 : i32 to index
    %swap3A_150 = arith.index_cast %swap3A_147 : i32 to index
    %swap3A_151 = arith.constant 0 : index
    %swap3A_152 = tpu.vector_load %arg9[%swap3A_148, %swap3A_149, %swap3A_150, %swap3A_151] {strides = array<i32>} : memref<1x20x3x16xf32, #tpu.memory_space<vmem>>, vector<1x1x1x16xf32>,
    %swap3A_153 = vector.shape_cast %swap3A_152 : vector<1x1x1x16xf32> to vector<16xf32>
    %swap3A_154 = vector.shape_cast %broadcast_in_dim3A_3 : vector<16xf32> to vector<1x1x1x16xf32>
    tpu.vector_store %arg9[%swap3A_148, %swap3A_149, %swap3A_150, %swap3A_151], %swap3A_154 {strides = array<i32>} : memref<1x20x3x16xf32, #tpu.memory_space<vmem>>, vector<1x1x1x16xf32>,
    %swap3A_155 = arith.constant 0 : i32
    %swap3A_156 = arith.constant 5 : i32
    %swap3A_157 = arith.constant 0 : i32
    %swap3A_158 = arith.index_cast %swap3A_155 : i32 to index
    %swap3A_159 = arith.index_cast %swap3A_156 : i32 to index
    %swap3A_160 = arith.index_cast %swap3A_157 : i32 to index
    %swap3A_161 = arith.constant 0 : index
    %swap3A_162 = tpu.vector_load %arg9[%swap3A_158, %swap3A_159, %swap3A_160, %swap3A_161] {strides = array<i32>} : memref<1x20x3x16xf32, #tpu.memory_space<vmem>>, vector<1x1x1x16xf32>,
    %swap3A_163 = vector.shape_cast %swap3A_162 : vector<1x1x1x16xf32> to vector<16xf32>
    %swap3A_164 = vector.shape_cast %broadcast_in_dim3A_3 : vector<16xf32> to vector<1x1x1x16xf32>
    tpu.vector_store %arg9[%swap3A_158, %swap3A_159, %swap3A_160, %swap3A_161], %swap3A_164 {strides = array<i32>} : memref<1x20x3x16xf32, #tpu.memory_space<vmem>>, vector<1x1x1x16xf32>,
    %swap3A_165 = arith.constant 0 : i32
    %swap3A_166 = arith.constant 5 : i32
    %swap3A_167 = arith.constant 1 : i32
    %swap3A_168 = arith.index_cast %swap3A_165 : i32 to index
    %swap3A_169 = arith.index_cast %swap3A_166 : i32 to index
    %swap3A_170 = arith.index_cast %swap3A_167 : i32 to index
    %swap3A_171 = arith.constant 0 : index
    %swap3A_172 = tpu.vector_load %arg9[%swap3A_168, %swap3A_169, %swap3A_170, %swap3A_171] {strides = array<i32>} : memref<1x20x3x16xf32, #tpu.memory_space<vmem>>, vector<1x1x1x16xf32>,
    %swap3A_173 = vector.shape_cast %swap3A_172 : vector<1x1x1x16xf32> to vector<16xf32>
    %swap3A_174 = vector.shape_cast %broadcast_in_dim3A_3 : vector<16xf32> to vector<1x1x1x16xf32>
    tpu.vector_store %arg9[%swap3A_168, %swap3A_169, %swap3A_170, %swap3A_171], %swap3A_174 {strides = array<i32>} : memref<1x20x3x16xf32, #tpu.memory_space<vmem>>, vector<1x1x1x16xf32>,
    %swap3A_175 = arith.constant 0 : i32
    %swap3A_176 = arith.constant 5 : i32
    %swap3A_177 = arith.constant 2 : i32
    %swap3A_178 = arith.index_cast %swap3A_175 : i32 to index
    %swap3A_179 = arith.index_cast %swap3A_176 : i32 to index
    %swap3A_180 = arith.index_cast %swap3A_177 : i32 to index
    %swap3A_181 = arith.constant 0 : index
    %swap3A_182 = tpu.vector_load %arg9[%swap3A_178, %swap3A_179, %swap3A_180, %swap3A_181] {strides = array<i32>} : memref<1x20x3x16xf32, #tpu.memory_space<vmem>>, vector<1x1x1x16xf32>,
    %swap3A_183 = vector.shape_cast %swap3A_182 : vector<1x1x1x16xf32> to vector<16xf32>
    %swap3A_184 = vector.shape_cast %broadcast_in_dim3A_3 : vector<16xf32> to vector<1x1x1x16xf32>
    tpu.vector_store %arg9[%swap3A_178, %swap3A_179, %swap3A_180, %swap3A_181], %swap3A_184 {strides = array<i32>} : memref<1x20x3x16xf32, #tpu.memory_space<vmem>>, vector<1x1x1x16xf32>,
    %swap3A_185 = arith.constant 0 : i32
    %swap3A_186 = arith.constant 6 : i32
    %swap3A_187 = arith.constant 0 : i32
    %swap3A_188 = arith.index_cast %swap3A_185 : i32 to index
    %swap3A_189 = arith.index_cast %swap3A_186 : i32 to index
    %swap3A_190 = arith.index_cast %swap3A_187 : i32 to index
    %swap3A_191 = arith.constant 0 : index
    %swap3A_192 = tpu.vector_load %arg9[%swap3A_188, %swap3A_189, %swap3A_190, %swap3A_191] {strides = array<i32>} : memref<1x20x3x16xf32, #tpu.memory_space<vmem>>, vector<1x1x1x16xf32>,
    %swap3A_193 = vector.shape_cast %swap3A_192 : vector<1x1x1x16xf32> to vector<16xf32>
    %swap3A_194 = vector.shape_cast %broadcast_in_dim3A_3 : vector<16xf32> to vector<1x1x1x16xf32>
    tpu.vector_store %arg9[%swap3A_188, %swap3A_189, %swap3A_190, %swap3A_191], %swap3A_194 {strides = array<i32>} : memref<1x20x3x16xf32, #tpu.memory_space<vmem>>, vector<1x1x1x16xf32>,
    %swap3A_195 = arith.constant 0 : i32
    %swap3A_196 = arith.constant 6 : i32
    %swap3A_197 = arith.constant 1 : i32
    %swap3A_198 = arith.index_cast %swap3A_195 : i32 to index
    %swap3A_199 = arith.index_cast %swap3A_196 : i32 to index
    %swap3A_200 = arith.index_cast %swap3A_197 : i32 to index
    %swap3A_201 = arith.constant 0 : index
    %swap3A_202 = tpu.vector_load %arg9[%swap3A_198, %swap3A_199, %swap3A_200, %swap3A_201] {strides = array<i32>} : memref<1x20x3x16xf32, #tpu.memory_space<vmem>>, vector<1x1x1x16xf32>,
    %swap3A_203 = vector.shape_cast %swap3A_202 : vector<1x1x1x16xf32> to vector<16xf32>
    %swap3A_204 = vector.shape_cast %broadcast_in_dim3A_3 : vector<16xf32> to vector<1x1x1x16xf32>
    tpu.vector_store %arg9[%swap3A_198, %swap3A_199, %swap3A_200, %swap3A_201], %swap3A_204 {strides = array<i32>} : memref<1x20x3x16xf32, #tpu.memory_space<vmem>>, vector<1x1x1x16xf32>,
    %swap3A_205 = arith.constant 0 : i32
    %swap3A_206 = arith.constant 6 : i32
    %swap3A_207 = arith.constant 2 : i32
    %swap3A_208 = arith.index_cast %swap3A_205 : i32 to index
    %swap3A_209 = arith.index_cast %swap3A_206 : i32 to index
    %swap3A_210 = arith.index_cast %swap3A_207 : i32 to index
    %swap3A_211 = arith.constant 0 : index
    %swap3A_212 = tpu.vector_load %arg9[%swap3A_208, %swap3A_209, %swap3A_210, %swap3A_211] {strides = array<i32>} : memref<1x20x3x16xf32, #tpu.memory_space<vmem>>, vector<1x1x1x16xf32>,
    %swap3A_213 = vector.shape_cast %swap3A_212 : vector<1x1x1x16xf32> to vector<16xf32>
    %swap3A_214 = vector.shape_cast %broadcast_in_dim3A_3 : vector<16xf32> to vector<1x1x1x16xf32>
    tpu.vector_store %arg9[%swap3A_208, %swap3A_209, %swap3A_210, %swap3A_211], %swap3A_214 {strides = array<i32>} : memref<1x20x3x16xf32, #tpu.memory_space<vmem>>, vector<1x1x1x16xf32>,
    %swap3A_215 = arith.constant 0 : i32
    %swap3A_216 = arith.constant 7 : i32
    %swap3A_217 = arith.constant 0 : i32
    %swap3A_218 = arith.index_cast %swap3A_215 : i32 to index
    %swap3A_219 = arith.index_cast %swap3A_216 : i32 to index
    %swap3A_220 = arith.index_cast %swap3A_217 : i32 to index
    %swap3A_221 = arith.constant 0 : index
    %swap3A_222 = tpu.vector_load %arg9[%swap3A_218, %swap3A_219, %swap3A_220, %swap3A_221] {strides = array<i32>} : memref<1x20x3x16xf32, #tpu.memory_space<vmem>>, vector<1x1x1x16xf32>,
    %swap3A_223 = vector.shape_cast %swap3A_222 : vector<1x1x1x16xf32> to vector<16xf32>
    %swap3A_224 = vector.shape_cast %broadcast_in_dim3A_3 : vector<16xf32> to vector<1x1x1x16xf32>
    tpu.vector_store %arg9[%swap3A_218, %swap3A_219, %swap3A_220, %swap3A_221], %swap3A_224 {strides = array<i32>} : memref<1x20x3x16xf32, #tpu.memory_space<vmem>>, vector<1x1x1x16xf32>,
    %swap3A_225 = arith.constant 0 : i32
    %swap3A_226 = arith.constant 7 : i32
    %swap3A_227 = arith.constant 1 : i32
    %swap3A_228 = arith.index_cast %swap3A_225 : i32 to index
    %swap3A_229 = arith.index_cast %swap3A_226 : i32 to index
    %swap3A_230 = arith.index_cast %swap3A_227 : i32 to index
    %swap3A_231 = arith.constant 0 : index
    %swap3A_232 = tpu.vector_load %arg9[%swap3A_228, %swap3A_229, %swap3A_230, %swap3A_231] {strides = array<i32>} : memref<1x20x3x16xf32, #tpu.memory_space<vmem>>, vector<1x1x1x16xf32>,
    %swap3A_233 = vector.shape_cast %swap3A_232 : vector<1x1x1x16xf32> to vector<16xf32>
    %swap3A_234 = vector.shape_cast %broadcast_in_dim3A_3 : vector<16xf32> to vector<1x1x1x16xf32>
    tpu.vector_store %arg9[%swap3A_228, %swap3A_229, %swap3A_230, %swap3A_231], %swap3A_234 {strides = array<i32>} : memref<1x20x3x16xf32, #tpu.memory_space<vmem>>, vector<1x1x1x16xf32>,
    %swap3A_235 = arith.constant 0 : i32
    %swap3A_236 = arith.constant 7 : i32
    %swap3A_237 = arith.constant 2 : i32
    %swap3A_238 = arith.index_cast %swap3A_235 : i32 to index
    %swap3A_239 = arith.index_cast %swap3A_236 : i32 to index
    %swap3A_240 = arith.index_cast %swap3A_237 : i32 to index
    %swap3A_241 = arith.constant 0 : index
    %swap3A_242 = tpu.vector_load %arg9[%swap3A_238, %swap3A_239, %swap3A_240, %swap3A_241] {strides = array<i32>} : memref<1x20x3x16xf32, #tpu.memory_space<vmem>>, vector<1x1x1x16xf32>,
    %swap3A_243 = vector.shape_cast %swap3A_242 : vector<1x1x1x16xf32> to vector<16xf32>
    %swap3A_244 = vector.shape_cast %broadcast_in_dim3A_3 : vector<16xf32> to vector<1x1x1x16xf32>
    tpu.vector_store %arg9[%swap3A_238, %swap3A_239, %swap3A_240, %swap3A_241], %swap3A_244 {strides = array<i32>} : memref<1x20x3x16xf32, #tpu.memory_space<vmem>>, vector<1x1x1x16xf32>,
    %swap3A_245 = arith.constant 0 : i32
    %swap3A_246 = arith.constant 8 : i32
    %swap3A_247 = arith.constant 0 : i32
    %swap3A_248 = arith.index_cast %swap3A_245 : i32 to index
    %swap3A_249 = arith.index_cast %swap3A_246 : i32 to index
    %swap3A_250 = arith.index_cast %swap3A_247 : i32 to index
    %swap3A_251 = arith.constant 0 : index
    %swap3A_252 = tpu.vector_load %arg9[%swap3A_248, %swap3A_249, %swap3A_250, %swap3A_251] {strides = array<i32>} : memref<1x20x3x16xf32, #tpu.memory_space<vmem>>, vector<1x1x1x16xf32>,
    %swap3A_253 = vector.shape_cast %swap3A_252 : vector<1x1x1x16xf32> to vector<16xf32>
    %swap3A_254 = vector.shape_cast %broadcast_in_dim3A_3 : vector<16xf32> to vector<1x1x1x16xf32>
    tpu.vector_store %arg9[%swap3A_248, %swap3A_249, %swap3A_250, %swap3A_251], %swap3A_254 {strides = array<i32>} : memref<1x20x3x16xf32, #tpu.memory_space<vmem>>, vector<1x1x1x16xf32>,
    %swap3A_255 = arith.constant 0 : i32
    %swap3A_256 = arith.constant 8 : i32
    %swap3A_257 = arith.constant 1 : i32
    %swap3A_258 = arith.index_cast %swap3A_255 : i32 to index
    %swap3A_259 = arith.index_cast %swap3A_256 : i32 to index
    %swap3A_260 = arith.index_cast %swap3A_257 : i32 to index
    %swap3A_261 = arith.constant 0 : index
    %swap3A_262 = tpu.vector_load %arg9[%swap3A_258, %swap3A_259, %swap3A_260, %swap3A_261] {strides = array<i32>} : memref<1x20x3x16xf32, #tpu.memory_space<vmem>>, vector<1x1x1x16xf32>,
    %swap3A_263 = vector.shape_cast %swap3A_262 : vector<1x1x1x16xf32> to vector<16xf32>
    %swap3A_264 = vector.shape_cast %broadcast_in_dim3A_3 : vector<16xf32> to vector<1x1x1x16xf32>
    tpu.vector_store %arg9[%swap3A_258, %swap3A_259, %swap3A_260, %swap3A_261], %swap3A_264 {strides = array<i32>} : memref<1x20x3x16xf32, #tpu.memory_space<vmem>>, vector<1x1x1x16xf32>,
    %swap3A_265 = arith.constant 0 : i32
    %swap3A_266 = arith.constant 8 : i32
    %swap3A_267 = arith.constant 2 : i32
    %swap3A_268 = arith.index_cast %swap3A_265 : i32 to index
    %swap3A_269 = arith.index_cast %swap3A_266 : i32 to index
    %swap3A_270 = arith.index_cast %swap3A_267 : i32 to index
    %swap3A_271 = arith.constant 0 : index
    %swap3A_272 = tpu.vector_load %arg9[%swap3A_268, %swap3A_269, %swap3A_270, %swap3A_271] {strides = array<i32>} : memref<1x20x3x16xf32, #tpu.memory_space<vmem>>, vector<1x1x1x16xf32>,
    %swap3A_273 = vector.shape_cast %swap3A_272 : vector<1x1x1x16xf32> to vector<16xf32>
    %swap3A_274 = vector.shape_cast %broadcast_in_dim3A_3 : vector<16xf32> to vector<1x1x1x16xf32>
    tpu.vector_store %arg9[%swap3A_268, %swap3A_269, %swap3A_270, %swap3A_271], %swap3A_274 {strides = array<i32>} : memref<1x20x3x16xf32, #tpu.memory_space<vmem>>, vector<1x1x1x16xf32>,
    %swap3A_275 = arith.constant 0 : i32
    %swap3A_276 = arith.constant 9 : i32
    %swap3A_277 = arith.constant 0 : i32
    %swap3A_278 = arith.index_cast %swap3A_275 : i32 to index
    %swap3A_279 = arith.index_cast %swap3A_276 : i32 to index
    %swap3A_280 = arith.index_cast %swap3A_277 : i32 to index
    %swap3A_281 = arith.constant 0 : index
    %swap3A_282 = tpu.vector_load %arg9[%swap3A_278, %swap3A_279, %swap3A_280, %swap3A_281] {strides = array<i32>} : memref<1x20x3x16xf32, #tpu.memory_space<vmem>>, vector<1x1x1x16xf32>,
    %swap3A_283 = vector.shape_cast %swap3A_282 : vector<1x1x1x16xf32> to vector<16xf32>
    %swap3A_284 = vector.shape_cast %broadcast_in_dim3A_3 : vector<16xf32> to vector<1x1x1x16xf32>
    tpu.vector_store %arg9[%swap3A_278, %swap3A_279, %swap3A_280, %swap3A_281], %swap3A_284 {strides = array<i32>} : memref<1x20x3x16xf32, #tpu.memory_space<vmem>>, vector<1x1x1x16xf32>,
    %swap3A_285 = arith.constant 0 : i32
    %swap3A_286 = arith.constant 9 : i32
    %swap3A_287 = arith.constant 1 : i32
    %swap3A_288 = arith.index_cast %swap3A_285 : i32 to index
    %swap3A_289 = arith.index_cast %swap3A_286 : i32 to index
    %swap3A_290 = arith.index_cast %swap3A_287 : i32 to index
    %swap3A_291 = arith.constant 0 : index
    %swap3A_292 = tpu.vector_load %arg9[%swap3A_288, %swap3A_289, %swap3A_290, %swap3A_291] {strides = array<i32>} : memref<1x20x3x16xf32, #tpu.memory_space<vmem>>, vector<1x1x1x16xf32>,
    %swap3A_293 = vector.shape_cast %swap3A_292 : vector<1x1x1x16xf32> to vector<16xf32>
    %swap3A_294 = vector.shape_cast %broadcast_in_dim3A_3 : vector<16xf32> to vector<1x1x1x16xf32>
    tpu.vector_store %arg9[%swap3A_288, %swap3A_289, %swap3A_290, %swap3A_291], %swap3A_294 {strides = array<i32>} : memref<1x20x3x16xf32, #tpu.memory_space<vmem>>, vector<1x1x1x16xf32>,
    %swap3A_295 = arith.constant 0 : i32
    %swap3A_296 = arith.constant 9 : i32
    %swap3A_297 = arith.constant 2 : i32
    %swap3A_298 = arith.index_cast %swap3A_295 : i32 to index
    %swap3A_299 = arith.index_cast %swap3A_296 : i32 to index
    %swap3A_300 = arith.index_cast %swap3A_297 : i32 to index
    %swap3A_301 = arith.constant 0 : index
    %swap3A_302 = tpu.vector_load %arg9[%swap3A_298, %swap3A_299, %swap3A_300, %swap3A_301] {strides = array<i32>} : memref<1x20x3x16xf32, #tpu.memory_space<vmem>>, vector<1x1x1x16xf32>,
    %swap3A_303 = vector.shape_cast %swap3A_302 : vector<1x1x1x16xf32> to vector<16xf32>
    %swap3A_304 = vector.shape_cast %broadcast_in_dim3A_3 : vector<16xf32> to vector<1x1x1x16xf32>
    tpu.vector_store %arg9[%swap3A_298, %swap3A_299, %swap3A_300, %swap3A_301], %swap3A_304 {strides = array<i32>} : memref<1x20x3x16xf32, #tpu.memory_space<vmem>>, vector<1x1x1x16xf32>,
    %swap3A_305 = arith.constant 0 : i32
    %swap3A_306 = arith.constant 10 : i32
    %swap3A_307 = arith.constant 0 : i32
    %swap3A_308 = arith.index_cast %swap3A_305 : i32 to index
    %swap3A_309 = arith.index_cast %swap3A_306 : i32 to index
    %swap3A_310 = arith.index_cast %swap3A_307 : i32 to index
    %swap3A_311 = arith.constant 0 : index
    %swap3A_312 = tpu.vector_load %arg9[%swap3A_308, %swap3A_309, %swap3A_310, %swap3A_311] {strides = array<i32>} : memref<1x20x3x16xf32, #tpu.memory_space<vmem>>, vector<1x1x1x16xf32>,
    %swap3A_313 = vector.shape_cast %swap3A_312 : vector<1x1x1x16xf32> to vector<16xf32>
    %swap3A_314 = vector.shape_cast %broadcast_in_dim3A_3 : vector<16xf32> to vector<1x1x1x16xf32>
    tpu.vector_store %arg9[%swap3A_308, %swap3A_309, %swap3A_310, %swap3A_311], %swap3A_314 {strides = array<i32>} : memref<1x20x3x16xf32, #tpu.memory_space<vmem>>, vector<1x1x1x16xf32>,
    %swap3A_315 = arith.constant 0 : i32
    %swap3A_316 = arith.constant 10 : i32
    %swap3A_317 = arith.constant 1 : i32
    %swap3A_318 = arith.index_cast %swap3A_315 : i32 to index
    %swap3A_319 = arith.index_cast %swap3A_316 : i32 to index
    %swap3A_320 = arith.index_cast %swap3A_317 : i32 to index
    %swap3A_321 = arith.constant 0 : index
    %swap3A_322 = tpu.vector_load %arg9[%swap3A_318, %swap3A_319, %swap3A_320, %swap3A_321] {strides = array<i32>} : memref<1x20x3x16xf32, #tpu.memory_space<vmem>>, vector<1x1x1x16xf32>,
    %swap3A_323 = vector.shape_cast %swap3A_322 : vector<1x1x1x16xf32> to vector<16xf32>
    %swap3A_324 = vector.shape_cast %broadcast_in_dim3A_3 : vector<16xf32> to vector<1x1x1x16xf32>
    tpu.vector_store %arg9[%swap3A_318, %swap3A_319, %swap3A_320, %swap3A_321], %swap3A_324 {strides = array<i32>} : memref<1x20x3x16xf32, #tpu.memory_space<vmem>>, vector<1x1x1x16xf32>,
    %swap3A_325 = arith.constant 0 : i32
    %swap3A_326 = arith.constant 10 : i32
    %swap3A_327 = arith.constant 2 : i32
    %swap3A_328 = arith.index_cast %swap3A_325 : i32 to index
    %swap3A_329 = arith.index_cast %swap3A_326 : i32 to index
    %swap3A_330 = arith.index_cast %swap3A_327 : i32 to index
    %swap3A_331 = arith.constant 0 : index
    %swap3A_332 = tpu.vector_load %arg9[%swap3A_328, %swap3A_329, %swap3A_330, %swap3A_331] {strides = array<i32>} : memref<1x20x3x16xf32, #tpu.memory_space<vmem>>, vector<1x1x1x16xf32>,
    %swap3A_333 = vector.shape_cast %swap3A_332 : vector<1x1x1x16xf32> to vector<16xf32>
    %swap3A_334 = vector.shape_cast %broadcast_in_dim3A_3 : vector<16xf32> to vector<1x1x1x16xf32>
    tpu.vector_store %arg9[%swap3A_328, %swap3A_329, %swap3A_330, %swap3A_331], %swap3A_334 {strides = array<i32>} : memref<1x20x3x16xf32, #tpu.memory_space<vmem>>, vector<1x1x1x16xf32>,
    %swap3A_335 = arith.constant 0 : i32
    %swap3A_336 = arith.constant 11 : i32
    %swap3A_337 = arith.constant 0 : i32
    %swap3A_338 = arith.index_cast %swap3A_335 : i32 to index
    %swap3A_339 = arith.index_cast %swap3A_336 : i32 to index
    %swap3A_340 = arith.index_cast %swap3A_337 : i32 to index
    %swap3A_341 = arith.constant 0 : index
    %swap3A_342 = tpu.vector_load %arg9[%swap3A_338, %swap3A_339, %swap3A_340, %swap3A_341] {strides = array<i32>} : memref<1x20x3x16xf32, #tpu.memory_space<vmem>>, vector<1x1x1x16xf32>,
    %swap3A_343 = vector.shape_cast %swap3A_342 : vector<1x1x1x16xf32> to vector<16xf32>
    %swap3A_344 = vector.shape_cast %broadcast_in_dim3A_3 : vector<16xf32> to vector<1x1x1x16xf32>
    tpu.vector_store %arg9[%swap3A_338, %swap3A_339, %swap3A_340, %swap3A_341], %swap3A_344 {strides = array<i32>} : memref<1x20x3x16xf32, #tpu.memory_space<vmem>>, vector<1x1x1x16xf32>,
    %swap3A_345 = arith.constant 0 : i32
    %swap3A_346 = arith.constant 11 : i32
    %swap3A_347 = arith.constant 1 : i32
    %swap3A_348 = arith.index_cast %swap3A_345 : i32 to index
    %swap3A_349 = arith.index_cast %swap3A_346 : i32 to index
    %swap3A_350 = arith.index_cast %swap3A_347 : i32 to index
    %swap3A_351 = arith.constant 0 : index
    %swap3A_352 = tpu.vector_load %arg9[%swap3A_348, %swap3A_349, %swap3A_350, %swap3A_351] {strides = array<i32>} : memref<1x20x3x16xf32, #tpu.memory_space<vmem>>, vector<1x1x1x16xf32>,
    %swap3A_353 = vector.shape_cast %swap3A_352 : vector<1x1x1x16xf32> to vector<16xf32>
    %swap3A_354 = vector.shape_cast %broadcast_in_dim3A_3 : vector<16xf32> to vector<1x1x1x16xf32>
    tpu.vector_store %arg9[%swap3A_348, %swap3A_349, %swap3A_350, %swap3A_351], %swap3A_354 {strides = array<i32>} : memref<1x20x3x16xf32, #tpu.memory_space<vmem>>, vector<1x1x1x16xf32>,
    %swap3A_355 = arith.constant 0 : i32
    %swap3A_356 = arith.constant 11 : i32
    %swap3A_357 = arith.constant 2 : i32
    %swap3A_358 = arith.index_cast %swap3A_355 : i32 to index
    %swap3A_359 = arith.index_cast %swap3A_356 : i32 to index
    %swap3A_360 = arith.index_cast %swap3A_357 : i32 to index
    %swap3A_361 = arith.constant 0 : index
    %swap3A_362 = tpu.vector_load %arg9[%swap3A_358, %swap3A_359, %swap3A_360, %swap3A_361] {strides = array<i32>} : memref<1x20x3x16xf32, #tpu.memory_space<vmem>>, vector<1x1x1x16xf32>,
    %swap3A_363 = vector.shape_cast %swap3A_362 : vector<1x1x1x16xf32> to vector<16xf32>
    %swap3A_364 = vector.shape_cast %broadcast_in_dim3A_3 : vector<16xf32> to vector<1x1x1x16xf32>
    tpu.vector_store %arg9[%swap3A_358, %swap3A_359, %swap3A_360, %swap3A_361], %swap3A_364 {strides = array<i32>} : memref<1x20x3x16xf32, #tpu.memory_space<vmem>>, vector<1x1x1x16xf32>,
    %swap3A_365 = arith.constant 0 : i32
    %swap3A_366 = arith.constant 12 : i32
    %swap3A_367 = arith.constant 0 : i32
    %swap3A_368 = arith.index_cast %swap3A_365 : i32 to index
    %swap3A_369 = arith.index_cast %swap3A_366 : i32 to index
    %swap3A_370 = arith.index_cast %swap3A_367 : i32 to index
    %swap3A_371 = arith.constant 0 : index
    %swap3A_372 = tpu.vector_load %arg9[%swap3A_368, %swap3A_369, %swap3A_370, %swap3A_371] {strides = array<i32>} : memref<1x20x3x16xf32, #tpu.memory_space<vmem>>, vector<1x1x1x16xf32>,
    %swap3A_373 = vector.shape_cast %swap3A_372 : vector<1x1x1x16xf32> to vector<16xf32>
    %swap3A_374 = vector.shape_cast %broadcast_in_dim3A_3 : vector<16xf32> to vector<1x1x1x16xf32>
    tpu.vector_store %arg9[%swap3A_368, %swap3A_369, %swap3A_370, %swap3A_371], %swap3A_374 {strides = array<i32>} : memref<1x20x3x16xf32, #tpu.memory_space<vmem>>, vector<1x1x1x16xf32>,
    %swap3A_375 = arith.constant 0 : i32
    %swap3A_376 = arith.constant 12 : i32
    %swap3A_377 = arith.constant 1 : i32
    %swap3A_378 = arith.index_cast %swap3A_375 : i32 to index
    %swap3A_379 = arith.index_cast %swap3A_376 : i32 to index
    %swap3A_380 = arith.index_cast %swap3A_377 : i32 to index
    %swap3A_381 = arith.constant 0 : index
    %swap3A_382 = tpu.vector_load %arg9[%swap3A_378, %swap3A_379, %swap3A_380, %swap3A_381] {strides = array<i32>} : memref<1x20x3x16xf32, #tpu.memory_space<vmem>>, vector<1x1x1x16xf32>,
    %swap3A_383 = vector.shape_cast %swap3A_382 : vector<1x1x1x16xf32> to vector<16xf32>
    %swap3A_384 = vector.shape_cast %broadcast_in_dim3A_3 : vector<16xf32> to vector<1x1x1x16xf32>
    tpu.vector_store %arg9[%swap3A_378, %swap3A_379, %swap3A_380, %swap3A_381], %swap3A_384 {strides = array<i32>} : memref<1x20x3x16xf32, #tpu.memory_space<vmem>>, vector<1x1x1x16xf32>,
    %swap3A_385 = arith.constant 0 : i32
    %swap3A_386 = arith.constant 12 : i32
    %swap3A_387 = arith.constant 2 : i32
    %swap3A_388 = arith.index_cast %swap3A_385 : i32 to index
    %swap3A_389 = arith.index_cast %swap3A_386 : i32 to index
    %swap3A_390 = arith.index_cast %swap3A_387 : i32 to index
    %swap3A_391 = arith.constant 0 : index
    %swap3A_392 = tpu.vector_load %arg9[%swap3A_388, %swap3A_389, %swap3A_390, %swap3A_391] {strides = array<i32>} : memref<1x20x3x16xf32, #tpu.memory_space<vmem>>, vector<1x1x1x16xf32>,
    %swap3A_393 = vector.shape_cast %swap3A_392 : vector<1x1x1x16xf32> to vector<16xf32>
    %swap3A_394 = vector.shape_cast %broadcast_in_dim3A_3 : vector<16xf32> to vector<1x1x1x16xf32>
    tpu.vector_store %arg9[%swap3A_388, %swap3A_389, %swap3A_390, %swap3A_391], %swap3A_394 {strides = array<i32>} : memref<1x20x3x16xf32, #tpu.memory_space<vmem>>, vector<1x1x1x16xf32>,
    %swap3A_395 = arith.constant 0 : i32
    %swap3A_396 = arith.constant 13 : i32
    %swap3A_397 = arith.constant 0 : i32
    %swap3A_398 = arith.index_cast %swap3A_395 : i32 to index
    %swap3A_399 = arith.index_cast %swap3A_396 : i32 to index
    %swap3A_400 = arith.index_cast %swap3A_397 : i32 to index
    %swap3A_401 = arith.constant 0 : index
    %swap3A_402 = tpu.vector_load %arg9[%swap3A_398, %swap3A_399, %swap3A_400, %swap3A_401] {strides = array<i32>} : memref<1x20x3x16xf32, #tpu.memory_space<vmem>>, vector<1x1x1x16xf32>,
    %swap3A_403 = vector.shape_cast %swap3A_402 : vector<1x1x1x16xf32> to vector<16xf32>
    %swap3A_404 = vector.shape_cast %broadcast_in_dim3A_3 : vector<16xf32> to vector<1x1x1x16xf32>
    tpu.vector_store %arg9[%swap3A_398, %swap3A_399, %swap3A_400, %swap3A_401], %swap3A_404 {strides = array<i32>} : memref<1x20x3x16xf32, #tpu.memory_space<vmem>>, vector<1x1x1x16xf32>,
    %swap3A_405 = arith.constant 0 : i32
    %swap3A_406 = arith.constant 13 : i32
    %swap3A_407 = arith.constant 1 : i32
    %swap3A_408 = arith.index_cast %swap3A_405 : i32 to index
    %swap3A_409 = arith.index_cast %swap3A_406 : i32 to index
    %swap3A_410 = arith.index_cast %swap3A_407 : i32 to index
    %swap3A_411 = arith.constant 0 : index
    %swap3A_412 = tpu.vector_load %arg9[%swap3A_408, %swap3A_409, %swap3A_410, %swap3A_411] {strides = array<i32>} : memref<1x20x3x16xf32, #tpu.memory_space<vmem>>, vector<1x1x1x16xf32>,
    %swap3A_413 = vector.shape_cast %swap3A_412 : vector<1x1x1x16xf32> to vector<16xf32>
    %swap3A_414 = vector.shape_cast %broadcast_in_dim3A_3 : vector<16xf32> to vector<1x1x1x16xf32>
    tpu.vector_store %arg9[%swap3A_408, %swap3A_409, %swap3A_410, %swap3A_411], %swap3A_414 {strides = array<i32>} : memref<1x20x3x16xf32, #tpu.memory_space<vmem>>, vector<1x1x1x16xf32>,
    %swap3A_415 = arith.constant 0 : i32
    %swap3A_416 = arith.constant 13 : i32
    %swap3A_417 = arith.constant 2 : i32
    %swap3A_418 = arith.index_cast %swap3A_415 : i32 to index
    %swap3A_419 = arith.index_cast %swap3A_416 : i32 to index
    %swap3A_420 = arith.index_cast %swap3A_417 : i32 to index
    %swap3A_421 = arith.constant 0 : index
    %swap3A_422 = tpu.vector_load %arg9[%swap3A_418, %swap3A_419, %swap3A_420, %swap3A_421] {strides = array<i32>} : memref<1x20x3x16xf32, #tpu.memory_space<vmem>>, vector<1x1x1x16xf32>,
    %swap3A_423 = vector.shape_cast %swap3A_422 : vector<1x1x1x16xf32> to vector<16xf32>
    %swap3A_424 = vector.shape_cast %broadcast_in_dim3A_3 : vector<16xf32> to vector<1x1x1x16xf32>
    tpu.vector_store %arg9[%swap3A_418, %swap3A_419, %swap3A_420, %swap3A_421], %swap3A_424 {strides = array<i32>} : memref<1x20x3x16xf32, #tpu.memory_space<vmem>>, vector<1x1x1x16xf32>,
    %swap3A_425 = arith.constant 0 : i32
    %swap3A_426 = arith.constant 14 : i32
    %swap3A_427 = arith.constant 0 : i32
    %swap3A_428 = arith.index_cast %swap3A_425 : i32 to index
    %swap3A_429 = arith.index_cast %swap3A_426 : i32 to index
    %swap3A_430 = arith.index_cast %swap3A_427 : i32 to index
    %swap3A_431 = arith.constant 0 : index
    %swap3A_432 = tpu.vector_load %arg9[%swap3A_428, %swap3A_429, %swap3A_430, %swap3A_431] {strides = array<i32>} : memref<1x20x3x16xf32, #tpu.memory_space<vmem>>, vector<1x1x1x16xf32>,
    %swap3A_433 = vector.shape_cast %swap3A_432 : vector<1x1x1x16xf32> to vector<16xf32>
    %swap3A_434 = vector.shape_cast %broadcast_in_dim3A_3 : vector<16xf32> to vector<1x1x1x16xf32>
    tpu.vector_store %arg9[%swap3A_428, %swap3A_429, %swap3A_430, %swap3A_431], %swap3A_434 {strides = array<i32>} : memref<1x20x3x16xf32, #tpu.memory_space<vmem>>, vector<1x1x1x16xf32>,
    %swap3A_435 = arith.constant 0 : i32
    %swap3A_436 = arith.constant 14 : i32
    %swap3A_437 = arith.constant 1 : i32
    %swap3A_438 = arith.index_cast %swap3A_435 : i32 to index
    %swap3A_439 = arith.index_cast %swap3A_436 : i32 to index
    %swap3A_440 = arith.index_cast %swap3A_437 : i32 to index
    %swap3A_441 = arith.constant 0 : index
    %swap3A_442 = tpu.vector_load %arg9[%swap3A_438, %swap3A_439, %swap3A_440, %swap3A_441] {strides = array<i32>} : memref<1x20x3x16xf32, #tpu.memory_space<vmem>>, vector<1x1x1x16xf32>,
    %swap3A_443 = vector.shape_cast %swap3A_442 : vector<1x1x1x16xf32> to vector<16xf32>
    %swap3A_444 = vector.shape_cast %broadcast_in_dim3A_3 : vector<16xf32> to vector<1x1x1x16xf32>
    tpu.vector_store %arg9[%swap3A_438, %swap3A_439, %swap3A_440, %swap3A_441], %swap3A_444 {strides = array<i32>} : memref<1x20x3x16xf32, #tpu.memory_space<vmem>>, vector<1x1x1x16xf32>,
    %swap3A_445 = arith.constant 0 : i32
    %swap3A_446 = arith.constant 14 : i32
    %swap3A_447 = arith.constant 2 : i32
    %swap3A_448 = arith.index_cast %swap3A_445 : i32 to index
    %swap3A_449 = arith.index_cast %swap3A_446 : i32 to index
    %swap3A_450 = arith.index_cast %swap3A_447 : i32 to index
    %swap3A_451 = arith.constant 0 : index
    %swap3A_452 = tpu.vector_load %arg9[%swap3A_448, %swap3A_449, %swap3A_450, %swap3A_451] {strides = array<i32>} : memref<1x20x3x16xf32, #tpu.memory_space<vmem>>, vector<1x1x1x16xf32>,
    %swap3A_453 = vector.shape_cast %swap3A_452 : vector<1x1x1x16xf32> to vector<16xf32>
    %swap3A_454 = vector.shape_cast %broadcast_in_dim3A_3 : vector<16xf32> to vector<1x1x1x16xf32>
    tpu.vector_store %arg9[%swap3A_448, %swap3A_449, %swap3A_450, %swap3A_451], %swap3A_454 {strides = array<i32>} : memref<1x20x3x16xf32, #tpu.memory_space<vmem>>, vector<1x1x1x16xf32>,
    %swap3A_455 = arith.constant 0 : i32
    %swap3A_456 = arith.constant 15 : i32
    %swap3A_457 = arith.constant 0 : i32
    %swap3A_458 = arith.index_cast %swap3A_455 : i32 to index
    %swap3A_459 = arith.index_cast %swap3A_456 : i32 to index
    %swap3A_460 = arith.index_cast %swap3A_457 : i32 to index
    %swap3A_461 = arith.constant 0 : index
    %swap3A_462 = tpu.vector_load %arg9[%swap3A_458, %swap3A_459, %swap3A_460, %swap3A_461] {strides = array<i32>} : memref<1x20x3x16xf32, #tpu.memory_space<vmem>>, vector<1x1x1x16xf32>,
    %swap3A_463 = vector.shape_cast %swap3A_462 : vector<1x1x1x16xf32> to vector<16xf32>
    %swap3A_464 = vector.shape_cast %broadcast_in_dim3A_3 : vector<16xf32> to vector<1x1x1x16xf32>
    tpu.vector_store %arg9[%swap3A_458, %swap3A_459, %swap3A_460, %swap3A_461], %swap3A_464 {strides = array<i32>} : memref<1x20x3x16xf32, #tpu.memory_space<vmem>>, vector<1x1x1x16xf32>,
    %swap3A_465 = arith.constant 0 : i32
    %swap3A_466 = arith.constant 15 : i32
    %swap3A_467 = arith.constant 1 : i32
    %swap3A_468 = arith.index_cast %swap3A_465 : i32 to index
    %swap3A_469 = arith.index_cast %swap3A_466 : i32 to index
    %swap3A_470 = arith.index_cast %swap3A_467 : i32 to index
    %swap3A_471 = arith.constant 0 : index
    %swap3A_472 = tpu.vector_load %arg9[%swap3A_468, %swap3A_469, %swap3A_470, %swap3A_471] {strides = array<i32>} : memref<1x20x3x16xf32, #tpu.memory_space<vmem>>, vector<1x1x1x16xf32>,
    %swap3A_473 = vector.shape_cast %swap3A_472 : vector<1x1x1x16xf32> to vector<16xf32>
    %swap3A_474 = vector.shape_cast %broadcast_in_dim3A_3 : vector<16xf32> to vector<1x1x1x16xf32>
    tpu.vector_store %arg9[%swap3A_468, %swap3A_469, %swap3A_470, %swap3A_471], %swap3A_474 {strides = array<i32>} : memref<1x20x3x16xf32, #tpu.memory_space<vmem>>, vector<1x1x1x16xf32>,
    %swap3A_475 = arith.constant 0 : i32
    %swap3A_476 = arith.constant 15 : i32
    %swap3A_477 = arith.constant 2 : i32
    %swap3A_478 = arith.index_cast %swap3A_475 : i32 to index
    %swap3A_479 = arith.index_cast %swap3A_476 : i32 to index
    %swap3A_480 = arith.index_cast %swap3A_477 : i32 to index
    %swap3A_481 = arith.constant 0 : index
    %swap3A_482 = tpu.vector_load %arg9[%swap3A_478, %swap3A_479, %swap3A_480, %swap3A_481] {strides = array<i32>} : memref<1x20x3x16xf32, #tpu.memory_space<vmem>>, vector<1x1x1x16xf32>,
    %swap3A_483 = vector.shape_cast %swap3A_482 : vector<1x1x1x16xf32> to vector<16xf32>
    %swap3A_484 = vector.shape_cast %broadcast_in_dim3A_3 : vector<16xf32> to vector<1x1x1x16xf32>
    tpu.vector_store %arg9[%swap3A_478, %swap3A_479, %swap3A_480, %swap3A_481], %swap3A_484 {strides = array<i32>} : memref<1x20x3x16xf32, #tpu.memory_space<vmem>>, vector<1x1x1x16xf32>,
    %swap3A_485 = arith.constant 0 : i32
    %swap3A_486 = arith.constant 16 : i32
    %swap3A_487 = arith.constant 0 : i32
    %swap3A_488 = arith.index_cast %swap3A_485 : i32 to index
    %swap3A_489 = arith.index_cast %swap3A_486 : i32 to index
    %swap3A_490 = arith.index_cast %swap3A_487 : i32 to index
    %swap3A_491 = arith.constant 0 : index
    %swap3A_492 = tpu.vector_load %arg9[%swap3A_488, %swap3A_489, %swap3A_490, %swap3A_491] {strides = array<i32>} : memref<1x20x3x16xf32, #tpu.memory_space<vmem>>, vector<1x1x1x16xf32>,
    %swap3A_493 = vector.shape_cast %swap3A_492 : vector<1x1x1x16xf32> to vector<16xf32>
    %swap3A_494 = vector.shape_cast %broadcast_in_dim3A_3 : vector<16xf32> to vector<1x1x1x16xf32>
    tpu.vector_store %arg9[%swap3A_488, %swap3A_489, %swap3A_490, %swap3A_491], %swap3A_494 {strides = array<i32>} : memref<1x20x3x16xf32, #tpu.memory_space<vmem>>, vector<1x1x1x16xf32>,
    %swap3A_495 = arith.constant 0 : i32
    %swap3A_496 = arith.constant 16 : i32
    %swap3A_497 = arith.constant 1 : i32
    %swap3A_498 = arith.index_cast %swap3A_495 : i32 to index
    %swap3A_499 = arith.index_cast %swap3A_496 : i32 to index
    %swap3A_500 = arith.index_cast %swap3A_497 : i32 to index
    %swap3A_501 = arith.constant 0 : index
    %swap3A_502 = tpu.vector_load %arg9[%swap3A_498, %swap3A_499, %swap3A_500, %swap3A_501] {strides = array<i32>} : memref<1x20x3x16xf32, #tpu.memory_space<vmem>>, vector<1x1x1x16xf32>,
    %swap3A_503 = vector.shape_cast %swap3A_502 : vector<1x1x1x16xf32> to vector<16xf32>
    %swap3A_504 = vector.shape_cast %broadcast_in_dim3A_3 : vector<16xf32> to vector<1x1x1x16xf32>
    tpu.vector_store %arg9[%swap3A_498, %swap3A_499, %swap3A_500, %swap3A_501], %swap3A_504 {strides = array<i32>} : memref<1x20x3x16xf32, #tpu.memory_space<vmem>>, vector<1x1x1x16xf32>,
    %swap3A_505 = arith.constant 0 : i32
    %swap3A_506 = arith.constant 16 : i32
    %swap3A_507 = arith.constant 2 : i32
    %swap3A_508 = arith.index_cast %swap3A_505 : i32 to index
    %swap3A_509 = arith.index_cast %swap3A_506 : i32 to index
    %swap3A_510 = arith.index_cast %swap3A_507 : i32 to index
    %swap3A_511 = arith.constant 0 : index
    %swap3A_512 = tpu.vector_load %arg9[%swap3A_508, %swap3A_509, %swap3A_510, %swap3A_511] {strides = array<i32>} : memref<1x20x3x16xf32, #tpu.memory_space<vmem>>, vector<1x1x1x16xf32>,
    %swap3A_513 = vector.shape_cast %swap3A_512 : vector<1x1x1x16xf32> to vector<16xf32>
    %swap3A_514 = vector.shape_cast %broadcast_in_dim3A_3 : vector<16xf32> to vector<1x1x1x16xf32>
    tpu.vector_store %arg9[%swap3A_508, %swap3A_509, %swap3A_510, %swap3A_511], %swap3A_514 {strides = array<i32>} : memref<1x20x3x16xf32, #tpu.memory_space<vmem>>, vector<1x1x1x16xf32>,
    %swap3A_515 = arith.constant 0 : i32
    %swap3A_516 = arith.constant 17 : i32
    %swap3A_517 = arith.constant 0 : i32
    %swap3A_518 = arith.index_cast %swap3A_515 : i32 to index
    %swap3A_519 = arith.index_cast %swap3A_516 : i32 to index
    %swap3A_520 = arith.index_cast %swap3A_517 : i32 to index
    %swap3A_521 = arith.constant 0 : index
    %swap3A_522 = tpu.vector_load %arg9[%swap3A_518, %swap3A_519, %swap3A_520, %swap3A_521] {strides = array<i32>} : memref<1x20x3x16xf32, #tpu.memory_space<vmem>>, vector<1x1x1x16xf32>,
    %swap3A_523 = vector.shape_cast %swap3A_522 : vector<1x1x1x16xf32> to vector<16xf32>
    %swap3A_524 = vector.shape_cast %broadcast_in_dim3A_3 : vector<16xf32> to vector<1x1x1x16xf32>
    tpu.vector_store %arg9[%swap3A_518, %swap3A_519, %swap3A_520, %swap3A_521], %swap3A_524 {strides = array<i32>} : memref<1x20x3x16xf32, #tpu.memory_space<vmem>>, vector<1x1x1x16xf32>,
    %swap3A_525 = arith.constant 0 : i32
    %swap3A_526 = arith.constant 17 : i32
    %swap3A_527 = arith.constant 1 : i32
    %swap3A_528 = arith.index_cast %swap3A_525 : i32 to index
    %swap3A_529 = arith.index_cast %swap3A_526 : i32 to index
    %swap3A_530 = arith.index_cast %swap3A_527 : i32 to index
    %swap3A_531 = arith.constant 0 : index
    %swap3A_532 = tpu.vector_load %arg9[%swap3A_528, %swap3A_529, %swap3A_530, %swap3A_531] {strides = array<i32>} : memref<1x20x3x16xf32, #tpu.memory_space<vmem>>, vector<1x1x1x16xf32>,
    %swap3A_533 = vector.shape_cast %swap3A_532 : vector<1x1x1x16xf32> to vector<16xf32>
    %swap3A_534 = vector.shape_cast %broadcast_in_dim3A_3 : vector<16xf32> to vector<1x1x1x16xf32>
    tpu.vector_store %arg9[%swap3A_528, %swap3A_529, %swap3A_530, %swap3A_531], %swap3A_534 {strides = array<i32>} : memref<1x20x3x16xf32, #tpu.memory_space<vmem>>, vector<1x1x1x16xf32>,
    %swap3A_535 = arith.constant 0 : i32
    %swap3A_536 = arith.constant 17 : i32
    %swap3A_537 = arith.constant 2 : i32
    %swap3A_538 = arith.index_cast %swap3A_535 : i32 to index
    %swap3A_539 = arith.index_cast %swap3A_536 : i32 to index
    %swap3A_540 = arith.index_cast %swap3A_537 : i32 to index
    %swap3A_541 = arith.constant 0 : index
    %swap3A_542 = tpu.vector_load %arg9[%swap3A_538, %swap3A_539, %swap3A_540, %swap3A_541] {strides = array<i32>} : memref<1x20x3x16xf32, #tpu.memory_space<vmem>>, vector<1x1x1x16xf32>,
    %swap3A_543 = vector.shape_cast %swap3A_542 : vector<1x1x1x16xf32> to vector<16xf32>
    %swap3A_544 = vector.shape_cast %broadcast_in_dim3A_3 : vector<16xf32> to vector<1x1x1x16xf32>
    tpu.vector_store %arg9[%swap3A_538, %swap3A_539, %swap3A_540, %swap3A_541], %swap3A_544 {strides = array<i32>} : memref<1x20x3x16xf32, #tpu.memory_space<vmem>>, vector<1x1x1x16xf32>,
    %swap3A_545 = arith.constant 0 : i32
    %swap3A_546 = arith.constant 18 : i32
    %swap3A_547 = arith.constant 0 : i32
    %swap3A_548 = arith.index_cast %swap3A_545 : i32 to index
    %swap3A_549 = arith.index_cast %swap3A_546 : i32 to index
    %swap3A_550 = arith.index_cast %swap3A_547 : i32 to index
    %swap3A_551 = arith.constant 0 : index
    %swap3A_552 = tpu.vector_load %arg9[%swap3A_548, %swap3A_549, %swap3A_550, %swap3A_551] {strides = array<i32>} : memref<1x20x3x16xf32, #tpu.memory_space<vmem>>, vector<1x1x1x16xf32>,
    %swap3A_553 = vector.shape_cast %swap3A_552 : vector<1x1x1x16xf32> to vector<16xf32>
    %swap3A_554 = vector.shape_cast %broadcast_in_dim3A_3 : vector<16xf32> to vector<1x1x1x16xf32>
    tpu.vector_store %arg9[%swap3A_548, %swap3A_549, %swap3A_550, %swap3A_551], %swap3A_554 {strides = array<i32>} : memref<1x20x3x16xf32, #tpu.memory_space<vmem>>, vector<1x1x1x16xf32>,
    %swap3A_555 = arith.constant 0 : i32
    %swap3A_556 = arith.constant 18 : i32
    %swap3A_557 = arith.constant 1 : i32
    %swap3A_558 = arith.index_cast %swap3A_555 : i32 to index
    %swap3A_559 = arith.index_cast %swap3A_556 : i32 to index
    %swap3A_560 = arith.index_cast %swap3A_557 : i32 to index
    %swap3A_561 = arith.constant 0 : index
    %swap3A_562 = tpu.vector_load %arg9[%swap3A_558, %swap3A_559, %swap3A_560, %swap3A_561] {strides = array<i32>} : memref<1x20x3x16xf32, #tpu.memory_space<vmem>>, vector<1x1x1x16xf32>,
    %swap3A_563 = vector.shape_cast %swap3A_562 : vector<1x1x1x16xf32> to vector<16xf32>
    %swap3A_564 = vector.shape_cast %broadcast_in_dim3A_3 : vector<16xf32> to vector<1x1x1x16xf32>
    tpu.vector_store %arg9[%swap3A_558, %swap3A_559, %swap3A_560, %swap3A_561], %swap3A_564 {strides = array<i32>} : memref<1x20x3x16xf32, #tpu.memory_space<vmem>>, vector<1x1x1x16xf32>,
    %swap3A_565 = arith.constant 0 : i32
    %swap3A_566 = arith.constant 18 : i32
    %swap3A_567 = arith.constant 2 : i32
    %swap3A_568 = arith.index_cast %swap3A_565 : i32 to index
    %swap3A_569 = arith.index_cast %swap3A_566 : i32 to index
    %swap3A_570 = arith.index_cast %swap3A_567 : i32 to index
    %swap3A_571 = arith.constant 0 : index
    %swap3A_572 = tpu.vector_load %arg9[%swap3A_568, %swap3A_569, %swap3A_570, %swap3A_571] {strides = array<i32>} : memref<1x20x3x16xf32, #tpu.memory_space<vmem>>, vector<1x1x1x16xf32>,
    %swap3A_573 = vector.shape_cast %swap3A_572 : vector<1x1x1x16xf32> to vector<16xf32>
    %swap3A_574 = vector.shape_cast %broadcast_in_dim3A_3 : vector<16xf32> to vector<1x1x1x16xf32>
    tpu.vector_store %arg9[%swap3A_568, %swap3A_569, %swap3A_570, %swap3A_571], %swap3A_574 {strides = array<i32>} : memref<1x20x3x16xf32, #tpu.memory_space<vmem>>, vector<1x1x1x16xf32>,
    %swap3A_575 = arith.constant 0 : i32
    %swap3A_576 = arith.constant 19 : i32
    %swap3A_577 = arith.constant 0 : i32
    %swap3A_578 = arith.index_cast %swap3A_575 : i32 to index
    %swap3A_579 = arith.index_cast %swap3A_576 : i32 to index
    %swap3A_580 = arith.index_cast %swap3A_577 : i32 to index
    %swap3A_581 = arith.constant 0 : index
    %swap3A_582 = tpu.vector_load %arg9[%swap3A_578, %swap3A_579, %swap3A_580, %swap3A_581] {strides = array<i32>} : memref<1x20x3x16xf32, #tpu.memory_space<vmem>>, vector<1x1x1x16xf32>,
    %swap3A_583 = vector.shape_cast %swap3A_582 : vector<1x1x1x16xf32> to vector<16xf32>
    %swap3A_584 = vector.shape_cast %broadcast_in_dim3A_3 : vector<16xf32> to vector<1x1x1x16xf32>
    tpu.vector_store %arg9[%swap3A_578, %swap3A_579, %swap3A_580, %swap3A_581], %swap3A_584 {strides = array<i32>} : memref<1x20x3x16xf32, #tpu.memory_space<vmem>>, vector<1x1x1x16xf32>,
    %swap3A_585 = arith.constant 0 : i32
    %swap3A_586 = arith.constant 19 : i32
    %swap3A_587 = arith.constant 1 : i32
    %swap3A_588 = arith.index_cast %swap3A_585 : i32 to index
    %swap3A_589 = arith.index_cast %swap3A_586 : i32 to index
    %swap3A_590 = arith.index_cast %swap3A_587 : i32 to index
    %swap3A_591 = arith.constant 0 : index
    %swap3A_592 = tpu.vector_load %arg9[%swap3A_588, %swap3A_589, %swap3A_590, %swap3A_591] {strides = array<i32>} : memref<1x20x3x16xf32, #tpu.memory_space<vmem>>, vector<1x1x1x16xf32>,
    %swap3A_593 = vector.shape_cast %swap3A_592 : vector<1x1x1x16xf32> to vector<16xf32>
    %swap3A_594 = vector.shape_cast %broadcast_in_dim3A_3 : vector<16xf32> to vector<1x1x1x16xf32>
    tpu.vector_store %arg9[%swap3A_588, %swap3A_589, %swap3A_590, %swap3A_591], %swap3A_594 {strides = array<i32>} : memref<1x20x3x16xf32, #tpu.memory_space<vmem>>, vector<1x1x1x16xf32>,
    %swap3A_595 = arith.constant 0 : i32
    %swap3A_596 = arith.constant 19 : i32
    %swap3A_597 = arith.constant 2 : i32
    %swap3A_598 = arith.index_cast %swap3A_595 : i32 to index
    %swap3A_599 = arith.index_cast %swap3A_596 : i32 to index
    %swap3A_600 = arith.index_cast %swap3A_597 : i32 to index
    %swap3A_601 = arith.constant 0 : index
    %swap3A_602 = tpu.vector_load %arg9[%swap3A_598, %swap3A_599, %swap3A_600, %swap3A_601] {strides = array<i32>} : memref<1x20x3x16xf32, #tpu.memory_space<vmem>>, vector<1x1x1x16xf32>,
    %swap3A_603 = vector.shape_cast %swap3A_602 : vector<1x1x1x16xf32> to vector<16xf32>
    %swap3A_604 = vector.shape_cast %broadcast_in_dim3A_3 : vector<16xf32> to vector<1x1x1x16xf32>
    tpu.vector_store %arg9[%swap3A_598, %swap3A_599, %swap3A_600, %swap3A_601], %swap3A_604 {strides = array<i32>} : memref<1x20x3x16xf32, #tpu.memory_space<vmem>>, vector<1x1x1x16xf32>,
    %get3A = arith.constant 0 : index
    %get3A_605 = tpu.vector_load %arg8[%get3A] {strides = array<i32>} : memref<32xf32, #tpu.memory_space<vmem>>, vector<16xf32>,
    %get3A_606 = vector.shape_cast %get3A_605 : vector<16xf32> to vector<16xf32>
    %get3A_607 = arith.constant 16 : index
    %get3A_608 = tpu.vector_load %arg8[%get3A_607] {strides = array<i32>} : memref<32xf32, #tpu.memory_space<vmem>>, vector<16xf32>,
    %get3A_609 = vector.shape_cast %get3A_608 : vector<16xf32> to vector<16xf32>
    %slice3A = vector.extract_strided_slice %get3A_606 {offsets = [0], sizes = [1], strides = [1]} : vector<16xf32> to vector<1xf32>
    %squeeze3A = vector.extract %slice3A[0] : f32 from vector<1xf32>
    %slice3A_610 = vector.extract_strided_slice %get3A_606 {offsets = [1], sizes = [1], strides = [1]} : vector<16xf32> to vector<1xf32>
    %squeeze3A_611 = vector.extract %slice3A_610[0] : f32 from vector<1xf32>
    %slice3A_612 = vector.extract_strided_slice %get3A_606 {offsets = [2], sizes = [1], strides = [1]} : vector<16xf32> to vector<1xf32>
    %squeeze3A_613 = vector.extract %slice3A_612[0] : f32 from vector<1xf32>
    %slice3A_614 = vector.extract_strided_slice %get3A_606 {offsets = [3], sizes = [1], strides = [1]} : vector<16xf32> to vector<1xf32>
    %squeeze3A_615 = vector.extract %slice3A_614[0] : f32 from vector<1xf32>
    %slice3A_616 = vector.extract_strided_slice %get3A_606 {offsets = [4], sizes = [1], strides = [1]} : vector<16xf32> to vector<1xf32>
    %squeeze3A_617 = vector.extract %slice3A_616[0] : f32 from vector<1xf32>
    %slice3A_618 = vector.extract_strided_slice %get3A_606 {offsets = [5], sizes = [1], strides = [1]} : vector<16xf32> to vector<1xf32>
    %squeeze3A_619 = vector.extract %slice3A_618[0] : f32 from vector<1xf32>
    %slice3A_620 = vector.extract_strided_slice %get3A_606 {offsets = [6], sizes = [1], strides = [1]} : vector<16xf32> to vector<1xf32>
    %squeeze3A_621 = vector.extract %slice3A_620[0] : f32 from vector<1xf32>
    %slice3A_622 = vector.extract_strided_slice %get3A_606 {offsets = [7], sizes = [1], strides = [1]} : vector<16xf32> to vector<1xf32>
    %squeeze3A_623 = vector.extract %slice3A_622[0] : f32 from vector<1xf32>
    %slice3A_624 = vector.extract_strided_slice %get3A_606 {offsets = [8], sizes = [1], strides = [1]} : vector<16xf32> to vector<1xf32>
    %squeeze3A_625 = vector.extract %slice3A_624[0] : f32 from vector<1xf32>
    %slice3A_626 = vector.extract_strided_slice %get3A_606 {offsets = [9], sizes = [1], strides = [1]} : vector<16xf32> to vector<1xf32>
    %squeeze3A_627 = vector.extract %slice3A_626[0] : f32 from vector<1xf32>
    %slice3A_628 = vector.extract_strided_slice %get3A_606 {offsets = [10], sizes = [1], strides = [1]} : vector<16xf32> to vector<1xf32>
    %squeeze3A_629 = vector.extract %slice3A_628[0] : f32 from vector<1xf32>
    %slice3A_630 = vector.extract_strided_slice %get3A_606 {offsets = [11], sizes = [1], strides = [1]} : vector<16xf32> to vector<1xf32>
    %squeeze3A_631 = vector.extract %slice3A_630[0] : f32 from vector<1xf32>
    %slice3A_632 = vector.extract_strided_slice %get3A_606 {offsets = [12], sizes = [1], strides = [1]} : vector<16xf32> to vector<1xf32>
    %squeeze3A_633 = vector.extract %slice3A_632[0] : f32 from vector<1xf32>
    %slice3A_634 = vector.extract_strided_slice %get3A_606 {offsets = [13], sizes = [1], strides = [1]} : vector<16xf32> to vector<1xf32>
    %squeeze3A_635 = vector.extract %slice3A_634[0] : f32 from vector<1xf32>
    %slice3A_636 = vector.extract_strided_slice %get3A_606 {offsets = [14], sizes = [1], strides = [1]} : vector<16xf32> to vector<1xf32>
    %squeeze3A_637 = vector.extract %slice3A_636[0] : f32 from vector<1xf32>
    %slice3A_638 = vector.extract_strided_slice %get3A_606 {offsets = [15], sizes = [1], strides = [1]} : vector<16xf32> to vector<1xf32>
    %squeeze3A_639 = vector.extract %slice3A_638[0] : f32 from vector<1xf32>
    %slice3A_640 = vector.extract_strided_slice %get3A_609 {offsets = [0], sizes = [1], strides = [1]} : vector<16xf32> to vector<1xf32>
    %squeeze3A_641 = vector.extract %slice3A_640[0] : f32 from vector<1xf32>
    %slice3A_642 = vector.extract_strided_slice %get3A_609 {offsets = [1], sizes = [1], strides = [1]} : vector<16xf32> to vector<1xf32>
    %squeeze3A_643 = vector.extract %slice3A_642[0] : f32 from vector<1xf32>
    %slice3A_644 = vector.extract_strided_slice %get3A_609 {offsets = [2], sizes = [1], strides = [1]} : vector<16xf32> to vector<1xf32>
    %squeeze3A_645 = vector.extract %slice3A_644[0] : f32 from vector<1xf32>
    %slice3A_646 = vector.extract_strided_slice %get3A_609 {offsets = [3], sizes = [1], strides = [1]} : vector<16xf32> to vector<1xf32>
    %squeeze3A_647 = vector.extract %slice3A_646[0] : f32 from vector<1xf32>
    %slice3A_648 = vector.extract_strided_slice %get3A_609 {offsets = [4], sizes = [1], strides = [1]} : vector<16xf32> to vector<1xf32>
    %squeeze3A_649 = vector.extract %slice3A_648[0] : f32 from vector<1xf32>
    %scan3A = arith.constant 0 : i32
    %scan3A_650 = arith.constant 0 : i32
    %scan3A_651 = arith.constant 128 : i32
    %scan3A_652 = arith.addi %scan3A_650, %scan3A_651 : i32
    %scan3A_653 = arith.constant 1 : i32
    scf.for %scan3A_655 = %scan3A_650 to %scan3A_652 step %scan3A_653  : i32 {
      %mul3A_656 = arith.constant 16 : i32
      %mul3A_657 = arith.muli %scan3A_655, %mul3A_656 : i32
      %get3A_658 = arith.index_cast %mul3A_657 : i32 to index
      %get3A_659 = tpu.vector_load %arg6[%get3A_658] {strides = array<i32>} : memref<2048xf32, #tpu.memory_space<vmem>>, vector<16xf32>,
      %get3A_660 = vector.shape_cast %get3A_659 : vector<16xf32> to vector<16xf32>
      %mul3A_661 = arith.constant 16 : i32
      %mul3A_662 = arith.muli %scan3A_655, %mul3A_661 : i32
      %get3A_663 = arith.index_cast %mul3A_662 : i32 to index
      %get3A_664 = tpu.vector_load %arg7[%get3A_663] {strides = array<i32>} : memref<2048xf32, #tpu.memory_space<vmem>>, vector<16xf32>,
      %get3A_665 = vector.shape_cast %get3A_664 : vector<16xf32> to vector<16xf32>
      %gt3A = vector.broadcast %squeeze3A : f32 to vector<16xf32>
      %gt3A_666 = arith.cmpf ogt, %get3A_660, %gt3A : vector<16xf32>
      %le3A = vector.broadcast %squeeze3A_611 : f32 to vector<16xf32>
      %le3A_667 = arith.cmpf ole, %get3A_660, %le3A : vector<16xf32>
      %and3A = arith.andi %gt3A_666, %le3A_667 : vector<16xi1>
      %select_n3A = arith.select %and3A, %broadcast_in_dim3A_5, %broadcast_in_dim3A_3 : vector<16xi1>, vector<16xf32>
      %swap3A_668 = arith.constant 0 : i32
      %swap3A_669 = arith.constant 0 : i32
      %swap3A_670 = arith.constant 0 : i32
      %swap3A_671 = arith.index_cast %swap3A_668 : i32 to index
      %swap3A_672 = arith.index_cast %swap3A_669 : i32 to index
      %swap3A_673 = arith.index_cast %swap3A_670 : i32 to index
      %swap3A_674 = arith.constant 0 : index
      %swap3A_675 = tpu.vector_load %arg9[%swap3A_671, %swap3A_672, %swap3A_673, %swap3A_674] {strides = array<i32>} : memref<1x20x3x16xf32, #tpu.memory_space<vmem>>, vector<1x1x1x16xf32>,
      %swap3A_676 = vector.shape_cast %swap3A_675 : vector<1x1x1x16xf32> to vector<16xf32>
      %swap3A_677 = vector.shape_cast %select_n3A : vector<16xf32> to vector<1x1x1x16xf32>
      tpu.vector_store %arg9[%swap3A_671, %swap3A_672, %swap3A_673, %swap3A_674], %swap3A_677 {add = true, strides = array<i32>} : memref<1x20x3x16xf32, #tpu.memory_space<vmem>>, vector<1x1x1x16xf32>,
      %select_n3A_678 = arith.select %and3A, %get3A_660, %broadcast_in_dim3A_3 : vector<16xi1>, vector<16xf32>
      %swap3A_679 = arith.constant 0 : i32
      %swap3A_680 = arith.constant 0 : i32
      %swap3A_681 = arith.constant 1 : i32
      %swap3A_682 = arith.index_cast %swap3A_679 : i32 to index
      %swap3A_683 = arith.index_cast %swap3A_680 : i32 to index
      %swap3A_684 = arith.index_cast %swap3A_681 : i32 to index
      %swap3A_685 = arith.constant 0 : index
      %swap3A_686 = tpu.vector_load %arg9[%swap3A_682, %swap3A_683, %swap3A_684, %swap3A_685] {strides = array<i32>} : memref<1x20x3x16xf32, #tpu.memory_space<vmem>>, vector<1x1x1x16xf32>,
      %swap3A_687 = vector.shape_cast %swap3A_686 : vector<1x1x1x16xf32> to vector<16xf32>
      %swap3A_688 = vector.shape_cast %select_n3A_678 : vector<16xf32> to vector<1x1x1x16xf32>
      tpu.vector_store %arg9[%swap3A_682, %swap3A_683, %swap3A_684, %swap3A_685], %swap3A_688 {add = true, strides = array<i32>} : memref<1x20x3x16xf32, #tpu.memory_space<vmem>>, vector<1x1x1x16xf32>,
      %select_n3A_689 = arith.select %and3A, %get3A_665, %broadcast_in_dim3A_3 : vector<16xi1>, vector<16xf32>
      %swap3A_690 = arith.constant 0 : i32
      %swap3A_691 = arith.constant 0 : i32
      %swap3A_692 = arith.constant 2 : i32
      %swap3A_693 = arith.index_cast %swap3A_690 : i32 to index
      %swap3A_694 = arith.index_cast %swap3A_691 : i32 to index
      %swap3A_695 = arith.index_cast %swap3A_692 : i32 to index
      %swap3A_696 = arith.constant 0 : index
      %swap3A_697 = tpu.vector_load %arg9[%swap3A_693, %swap3A_694, %swap3A_695, %swap3A_696] {strides = array<i32>} : memref<1x20x3x16xf32, #tpu.memory_space<vmem>>, vector<1x1x1x16xf32>,
      %swap3A_698 = vector.shape_cast %swap3A_697 : vector<1x1x1x16xf32> to vector<16xf32>
      %swap3A_699 = vector.shape_cast %select_n3A_689 : vector<16xf32> to vector<1x1x1x16xf32>
      tpu.vector_store %arg9[%swap3A_693, %swap3A_694, %swap3A_695, %swap3A_696], %swap3A_699 {add = true, strides = array<i32>} : memref<1x20x3x16xf32, #tpu.memory_space<vmem>>, vector<1x1x1x16xf32>,
      %gt3A_700 = vector.broadcast %squeeze3A_611 : f32 to vector<16xf32>
      %gt3A_701 = arith.cmpf ogt, %get3A_660, %gt3A_700 : vector<16xf32>
      %le3A_702 = vector.broadcast %squeeze3A_613 : f32 to vector<16xf32>
      %le3A_703 = arith.cmpf ole, %get3A_660, %le3A_702 : vector<16xf32>
      %and3A_704 = arith.andi %gt3A_701, %le3A_703 : vector<16xi1>
      %select_n3A_705 = arith.select %and3A_704, %broadcast_in_dim3A_5, %broadcast_in_dim3A_3 : vector<16xi1>, vector<16xf32>
      %swap3A_706 = arith.constant 0 : i32
      %swap3A_707 = arith.constant 1 : i32
      %swap3A_708 = arith.constant 0 : i32
      %swap3A_709 = arith.index_cast %swap3A_706 : i32 to index
      %swap3A_710 = arith.index_cast %swap3A_707 : i32 to index
      %swap3A_711 = arith.index_cast %swap3A_708 : i32 to index
      %swap3A_712 = arith.constant 0 : index
      %swap3A_713 = tpu.vector_load %arg9[%swap3A_709, %swap3A_710, %swap3A_711, %swap3A_712] {strides = array<i32>} : memref<1x20x3x16xf32, #tpu.memory_space<vmem>>, vector<1x1x1x16xf32>,
      %swap3A_714 = vector.shape_cast %swap3A_713 : vector<1x1x1x16xf32> to vector<16xf32>
      %swap3A_715 = vector.shape_cast %select_n3A_705 : vector<16xf32> to vector<1x1x1x16xf32>
      tpu.vector_store %arg9[%swap3A_709, %swap3A_710, %swap3A_711, %swap3A_712], %swap3A_715 {add = true, strides = array<i32>} : memref<1x20x3x16xf32, #tpu.memory_space<vmem>>, vector<1x1x1x16xf32>,
      %select_n3A_716 = arith.select %and3A_704, %get3A_660, %broadcast_in_dim3A_3 : vector<16xi1>, vector<16xf32>
      %swap3A_717 = arith.constant 0 : i32
      %swap3A_718 = arith.constant 1 : i32
      %swap3A_719 = arith.constant 1 : i32
      %swap3A_720 = arith.index_cast %swap3A_717 : i32 to index
      %swap3A_721 = arith.index_cast %swap3A_718 : i32 to index
      %swap3A_722 = arith.index_cast %swap3A_719 : i32 to index
      %swap3A_723 = arith.constant 0 : index
      %swap3A_724 = tpu.vector_load %arg9[%swap3A_720, %swap3A_721, %swap3A_722, %swap3A_723] {strides = array<i32>} : memref<1x20x3x16xf32, #tpu.memory_space<vmem>>, vector<1x1x1x16xf32>,
      %swap3A_725 = vector.shape_cast %swap3A_724 : vector<1x1x1x16xf32> to vector<16xf32>
      %swap3A_726 = vector.shape_cast %select_n3A_716 : vector<16xf32> to vector<1x1x1x16xf32>
      tpu.vector_store %arg9[%swap3A_720, %swap3A_721, %swap3A_722, %swap3A_723], %swap3A_726 {add = true, strides = array<i32>} : memref<1x20x3x16xf32, #tpu.memory_space<vmem>>, vector<1x1x1x16xf32>,
      %select_n3A_727 = arith.select %and3A_704, %get3A_665, %broadcast_in_dim3A_3 : vector<16xi1>, vector<16xf32>
      %swap3A_728 = arith.constant 0 : i32
      %swap3A_729 = arith.constant 1 : i32
      %swap3A_730 = arith.constant 2 : i32
      %swap3A_731 = arith.index_cast %swap3A_728 : i32 to index
      %swap3A_732 = arith.index_cast %swap3A_729 : i32 to index
      %swap3A_733 = arith.index_cast %swap3A_730 : i32 to index
      %swap3A_734 = arith.constant 0 : index
      %swap3A_735 = tpu.vector_load %arg9[%swap3A_731, %swap3A_732, %swap3A_733, %swap3A_734] {strides = array<i32>} : memref<1x20x3x16xf32, #tpu.memory_space<vmem>>, vector<1x1x1x16xf32>,
      %swap3A_736 = vector.shape_cast %swap3A_735 : vector<1x1x1x16xf32> to vector<16xf32>
      %swap3A_737 = vector.shape_cast %select_n3A_727 : vector<16xf32> to vector<1x1x1x16xf32>
      tpu.vector_store %arg9[%swap3A_731, %swap3A_732, %swap3A_733, %swap3A_734], %swap3A_737 {add = true, strides = array<i32>} : memref<1x20x3x16xf32, #tpu.memory_space<vmem>>, vector<1x1x1x16xf32>,
      %gt3A_738 = vector.broadcast %squeeze3A_613 : f32 to vector<16xf32>
      %gt3A_739 = arith.cmpf ogt, %get3A_660, %gt3A_738 : vector<16xf32>
      %le3A_740 = vector.broadcast %squeeze3A_615 : f32 to vector<16xf32>
      %le3A_741 = arith.cmpf ole, %get3A_660, %le3A_740 : vector<16xf32>
      %and3A_742 = arith.andi %gt3A_739, %le3A_741 : vector<16xi1>
      %select_n3A_743 = arith.select %and3A_742, %broadcast_in_dim3A_5, %broadcast_in_dim3A_3 : vector<16xi1>, vector<16xf32>
      %swap3A_744 = arith.constant 0 : i32
      %swap3A_745 = arith.constant 2 : i32
      %swap3A_746 = arith.constant 0 : i32
      %swap3A_747 = arith.index_cast %swap3A_744 : i32 to index
      %swap3A_748 = arith.index_cast %swap3A_745 : i32 to index
      %swap3A_749 = arith.index_cast %swap3A_746 : i32 to index
      %swap3A_750 = arith.constant 0 : index
      %swap3A_751 = tpu.vector_load %arg9[%swap3A_747, %swap3A_748, %swap3A_749, %swap3A_750] {strides = array<i32>} : memref<1x20x3x16xf32, #tpu.memory_space<vmem>>, vector<1x1x1x16xf32>,
      %swap3A_752 = vector.shape_cast %swap3A_751 : vector<1x1x1x16xf32> to vector<16xf32>
      %swap3A_753 = vector.shape_cast %select_n3A_743 : vector<16xf32> to vector<1x1x1x16xf32>
      tpu.vector_store %arg9[%swap3A_747, %swap3A_748, %swap3A_749, %swap3A_750], %swap3A_753 {add = true, strides = array<i32>} : memref<1x20x3x16xf32, #tpu.memory_space<vmem>>, vector<1x1x1x16xf32>,
      %select_n3A_754 = arith.select %and3A_742, %get3A_660, %broadcast_in_dim3A_3 : vector<16xi1>, vector<16xf32>
      %swap3A_755 = arith.constant 0 : i32
      %swap3A_756 = arith.constant 2 : i32
      %swap3A_757 = arith.constant 1 : i32
      %swap3A_758 = arith.index_cast %swap3A_755 : i32 to index
      %swap3A_759 = arith.index_cast %swap3A_756 : i32 to index
      %swap3A_760 = arith.index_cast %swap3A_757 : i32 to index
      %swap3A_761 = arith.constant 0 : index
      %swap3A_762 = tpu.vector_load %arg9[%swap3A_758, %swap3A_759, %swap3A_760, %swap3A_761] {strides = array<i32>} : memref<1x20x3x16xf32, #tpu.memory_space<vmem>>, vector<1x1x1x16xf32>,
      %swap3A_763 = vector.shape_cast %swap3A_762 : vector<1x1x1x16xf32> to vector<16xf32>
      %swap3A_764 = vector.shape_cast %select_n3A_754 : vector<16xf32> to vector<1x1x1x16xf32>
      tpu.vector_store %arg9[%swap3A_758, %swap3A_759, %swap3A_760, %swap3A_761], %swap3A_764 {add = true, strides = array<i32>} : memref<1x20x3x16xf32, #tpu.memory_space<vmem>>, vector<1x1x1x16xf32>,
      %select_n3A_765 = arith.select %and3A_742, %get3A_665, %broadcast_in_dim3A_3 : vector<16xi1>, vector<16xf32>
      %swap3A_766 = arith.constant 0 : i32
      %swap3A_767 = arith.constant 2 : i32
      %swap3A_768 = arith.constant 2 : i32
      %swap3A_769 = arith.index_cast %swap3A_766 : i32 to index
      %swap3A_770 = arith.index_cast %swap3A_767 : i32 to index
      %swap3A_771 = arith.index_cast %swap3A_768 : i32 to index
      %swap3A_772 = arith.constant 0 : index
      %swap3A_773 = tpu.vector_load %arg9[%swap3A_769, %swap3A_770, %swap3A_771, %swap3A_772] {strides = array<i32>} : memref<1x20x3x16xf32, #tpu.memory_space<vmem>>, vector<1x1x1x16xf32>,
      %swap3A_774 = vector.shape_cast %swap3A_773 : vector<1x1x1x16xf32> to vector<16xf32>
      %swap3A_775 = vector.shape_cast %select_n3A_765 : vector<16xf32> to vector<1x1x1x16xf32>
      tpu.vector_store %arg9[%swap3A_769, %swap3A_770, %swap3A_771, %swap3A_772], %swap3A_775 {add = true, strides = array<i32>} : memref<1x20x3x16xf32, #tpu.memory_space<vmem>>, vector<1x1x1x16xf32>,
      %gt3A_776 = vector.broadcast %squeeze3A_615 : f32 to vector<16xf32>
      %gt3A_777 = arith.cmpf ogt, %get3A_660, %gt3A_776 : vector<16xf32>
      %le3A_778 = vector.broadcast %squeeze3A_617 : f32 to vector<16xf32>
      %le3A_779 = arith.cmpf ole, %get3A_660, %le3A_778 : vector<16xf32>
      %and3A_780 = arith.andi %gt3A_777, %le3A_779 : vector<16xi1>
      %select_n3A_781 = arith.select %and3A_780, %broadcast_in_dim3A_5, %broadcast_in_dim3A_3 : vector<16xi1>, vector<16xf32>
      %swap3A_782 = arith.constant 0 : i32
      %swap3A_783 = arith.constant 3 : i32
      %swap3A_784 = arith.constant 0 : i32
      %swap3A_785 = arith.index_cast %swap3A_782 : i32 to index
      %swap3A_786 = arith.index_cast %swap3A_783 : i32 to index
      %swap3A_787 = arith.index_cast %swap3A_784 : i32 to index
      %swap3A_788 = arith.constant 0 : index
      %swap3A_789 = tpu.vector_load %arg9[%swap3A_785, %swap3A_786, %swap3A_787, %swap3A_788] {strides = array<i32>} : memref<1x20x3x16xf32, #tpu.memory_space<vmem>>, vector<1x1x1x16xf32>,
      %swap3A_790 = vector.shape_cast %swap3A_789 : vector<1x1x1x16xf32> to vector<16xf32>
      %swap3A_791 = vector.shape_cast %select_n3A_781 : vector<16xf32> to vector<1x1x1x16xf32>
      tpu.vector_store %arg9[%swap3A_785, %swap3A_786, %swap3A_787, %swap3A_788], %swap3A_791 {add = true, strides = array<i32>} : memref<1x20x3x16xf32, #tpu.memory_space<vmem>>, vector<1x1x1x16xf32>,
      %select_n3A_792 = arith.select %and3A_780, %get3A_660, %broadcast_in_dim3A_3 : vector<16xi1>, vector<16xf32>
      %swap3A_793 = arith.constant 0 : i32
      %swap3A_794 = arith.constant 3 : i32
      %swap3A_795 = arith.constant 1 : i32
      %swap3A_796 = arith.index_cast %swap3A_793 : i32 to index
      %swap3A_797 = arith.index_cast %swap3A_794 : i32 to index
      %swap3A_798 = arith.index_cast %swap3A_795 : i32 to index
      %swap3A_799 = arith.constant 0 : index
      %swap3A_800 = tpu.vector_load %arg9[%swap3A_796, %swap3A_797, %swap3A_798, %swap3A_799] {strides = array<i32>} : memref<1x20x3x16xf32, #tpu.memory_space<vmem>>, vector<1x1x1x16xf32>,
      %swap3A_801 = vector.shape_cast %swap3A_800 : vector<1x1x1x16xf32> to vector<16xf32>
      %swap3A_802 = vector.shape_cast %select_n3A_792 : vector<16xf32> to vector<1x1x1x16xf32>
      tpu.vector_store %arg9[%swap3A_796, %swap3A_797, %swap3A_798, %swap3A_799], %swap3A_802 {add = true, strides = array<i32>} : memref<1x20x3x16xf32, #tpu.memory_space<vmem>>, vector<1x1x1x16xf32>,
      %select_n3A_803 = arith.select %and3A_780, %get3A_665, %broadcast_in_dim3A_3 : vector<16xi1>, vector<16xf32>
      %swap3A_804 = arith.constant 0 : i32
      %swap3A_805 = arith.constant 3 : i32
      %swap3A_806 = arith.constant 2 : i32
      %swap3A_807 = arith.index_cast %swap3A_804 : i32 to index
      %swap3A_808 = arith.index_cast %swap3A_805 : i32 to index
      %swap3A_809 = arith.index_cast %swap3A_806 : i32 to index
      %swap3A_810 = arith.constant 0 : index
      %swap3A_811 = tpu.vector_load %arg9[%swap3A_807, %swap3A_808, %swap3A_809, %swap3A_810] {strides = array<i32>} : memref<1x20x3x16xf32, #tpu.memory_space<vmem>>, vector<1x1x1x16xf32>,
      %swap3A_812 = vector.shape_cast %swap3A_811 : vector<1x1x1x16xf32> to vector<16xf32>
      %swap3A_813 = vector.shape_cast %select_n3A_803 : vector<16xf32> to vector<1x1x1x16xf32>
      tpu.vector_store %arg9[%swap3A_807, %swap3A_808, %swap3A_809, %swap3A_810], %swap3A_813 {add = true, strides = array<i32>} : memref<1x20x3x16xf32, #tpu.memory_space<vmem>>, vector<1x1x1x16xf32>,
      %gt3A_814 = vector.broadcast %squeeze3A_617 : f32 to vector<16xf32>
      %gt3A_815 = arith.cmpf ogt, %get3A_660, %gt3A_814 : vector<16xf32>
      %le3A_816 = vector.broadcast %squeeze3A_619 : f32 to vector<16xf32>
      %le3A_817 = arith.cmpf ole, %get3A_660, %le3A_816 : vector<16xf32>
      %and3A_818 = arith.andi %gt3A_815, %le3A_817 : vector<16xi1>
      %select_n3A_819 = arith.select %and3A_818, %broadcast_in_dim3A_5, %broadcast_in_dim3A_3 : vector<16xi1>, vector<16xf32>
      %swap3A_820 = arith.constant 0 : i32
      %swap3A_821 = arith.constant 4 : i32
      %swap3A_822 = arith.constant 0 : i32
      %swap3A_823 = arith.index_cast %swap3A_820 : i32 to index
      %swap3A_824 = arith.index_cast %swap3A_821 : i32 to index
      %swap3A_825 = arith.index_cast %swap3A_822 : i32 to index
      %swap3A_826 = arith.constant 0 : index
      %swap3A_827 = tpu.vector_load %arg9[%swap3A_823, %swap3A_824, %swap3A_825, %swap3A_826] {strides = array<i32>} : memref<1x20x3x16xf32, #tpu.memory_space<vmem>>, vector<1x1x1x16xf32>,
      %swap3A_828 = vector.shape_cast %swap3A_827 : vector<1x1x1x16xf32> to vector<16xf32>
      %swap3A_829 = vector.shape_cast %select_n3A_819 : vector<16xf32> to vector<1x1x1x16xf32>
      tpu.vector_store %arg9[%swap3A_823, %swap3A_824, %swap3A_825, %swap3A_826], %swap3A_829 {add = true, strides = array<i32>} : memref<1x20x3x16xf32, #tpu.memory_space<vmem>>, vector<1x1x1x16xf32>,
      %select_n3A_830 = arith.select %and3A_818, %get3A_660, %broadcast_in_dim3A_3 : vector<16xi1>, vector<16xf32>
      %swap3A_831 = arith.constant 0 : i32
      %swap3A_832 = arith.constant 4 : i32
      %swap3A_833 = arith.constant 1 : i32
      %swap3A_834 = arith.index_cast %swap3A_831 : i32 to index
      %swap3A_835 = arith.index_cast %swap3A_832 : i32 to index
      %swap3A_836 = arith.index_cast %swap3A_833 : i32 to index
      %swap3A_837 = arith.constant 0 : index
      %swap3A_838 = tpu.vector_load %arg9[%swap3A_834, %swap3A_835, %swap3A_836, %swap3A_837] {strides = array<i32>} : memref<1x20x3x16xf32, #tpu.memory_space<vmem>>, vector<1x1x1x16xf32>,
      %swap3A_839 = vector.shape_cast %swap3A_838 : vector<1x1x1x16xf32> to vector<16xf32>
      %swap3A_840 = vector.shape_cast %select_n3A_830 : vector<16xf32> to vector<1x1x1x16xf32>
      tpu.vector_store %arg9[%swap3A_834, %swap3A_835, %swap3A_836, %swap3A_837], %swap3A_840 {add = true, strides = array<i32>} : memref<1x20x3x16xf32, #tpu.memory_space<vmem>>, vector<1x1x1x16xf32>,
      %select_n3A_841 = arith.select %and3A_818, %get3A_665, %broadcast_in_dim3A_3 : vector<16xi1>, vector<16xf32>
      %swap3A_842 = arith.constant 0 : i32
      %swap3A_843 = arith.constant 4 : i32
      %swap3A_844 = arith.constant 2 : i32
      %swap3A_845 = arith.index_cast %swap3A_842 : i32 to index
      %swap3A_846 = arith.index_cast %swap3A_843 : i32 to index
      %swap3A_847 = arith.index_cast %swap3A_844 : i32 to index
      %swap3A_848 = arith.constant 0 : index
      %swap3A_849 = tpu.vector_load %arg9[%swap3A_845, %swap3A_846, %swap3A_847, %swap3A_848] {strides = array<i32>} : memref<1x20x3x16xf32, #tpu.memory_space<vmem>>, vector<1x1x1x16xf32>,
      %swap3A_850 = vector.shape_cast %swap3A_849 : vector<1x1x1x16xf32> to vector<16xf32>
      %swap3A_851 = vector.shape_cast %select_n3A_841 : vector<16xf32> to vector<1x1x1x16xf32>
      tpu.vector_store %arg9[%swap3A_845, %swap3A_846, %swap3A_847, %swap3A_848], %swap3A_851 {add = true, strides = array<i32>} : memref<1x20x3x16xf32, #tpu.memory_space<vmem>>, vector<1x1x1x16xf32>,
      %gt3A_852 = vector.broadcast %squeeze3A_619 : f32 to vector<16xf32>
      %gt3A_853 = arith.cmpf ogt, %get3A_660, %gt3A_852 : vector<16xf32>
      %le3A_854 = vector.broadcast %squeeze3A_621 : f32 to vector<16xf32>
      %le3A_855 = arith.cmpf ole, %get3A_660, %le3A_854 : vector<16xf32>
      %and3A_856 = arith.andi %gt3A_853, %le3A_855 : vector<16xi1>
      %select_n3A_857 = arith.select %and3A_856, %broadcast_in_dim3A_5, %broadcast_in_dim3A_3 : vector<16xi1>, vector<16xf32>
      %swap3A_858 = arith.constant 0 : i32
      %swap3A_859 = arith.constant 5 : i32
      %swap3A_860 = arith.constant 0 : i32
      %swap3A_861 = arith.index_cast %swap3A_858 : i32 to index
      %swap3A_862 = arith.index_cast %swap3A_859 : i32 to index
      %swap3A_863 = arith.index_cast %swap3A_860 : i32 to index
      %swap3A_864 = arith.constant 0 : index
      %swap3A_865 = tpu.vector_load %arg9[%swap3A_861, %swap3A_862, %swap3A_863, %swap3A_864] {strides = array<i32>} : memref<1x20x3x16xf32, #tpu.memory_space<vmem>>, vector<1x1x1x16xf32>,
      %swap3A_866 = vector.shape_cast %swap3A_865 : vector<1x1x1x16xf32> to vector<16xf32>
      %swap3A_867 = vector.shape_cast %select_n3A_857 : vector<16xf32> to vector<1x1x1x16xf32>
      tpu.vector_store %arg9[%swap3A_861, %swap3A_862, %swap3A_863, %swap3A_864], %swap3A_867 {add = true, strides = array<i32>} : memref<1x20x3x16xf32, #tpu.memory_space<vmem>>, vector<1x1x1x16xf32>,
      %select_n3A_868 = arith.select %and3A_856, %get3A_660, %broadcast_in_dim3A_3 : vector<16xi1>, vector<16xf32>
      %swap3A_869 = arith.constant 0 : i32
      %swap3A_870 = arith.constant 5 : i32
      %swap3A_871 = arith.constant 1 : i32
      %swap3A_872 = arith.index_cast %swap3A_869 : i32 to index
      %swap3A_873 = arith.index_cast %swap3A_870 : i32 to index
      %swap3A_874 = arith.index_cast %swap3A_871 : i32 to index
      %swap3A_875 = arith.constant 0 : index
      %swap3A_876 = tpu.vector_load %arg9[%swap3A_872, %swap3A_873, %swap3A_874, %swap3A_875] {strides = array<i32>} : memref<1x20x3x16xf32, #tpu.memory_space<vmem>>, vector<1x1x1x16xf32>,
      %swap3A_877 = vector.shape_cast %swap3A_876 : vector<1x1x1x16xf32> to vector<16xf32>
      %swap3A_878 = vector.shape_cast %select_n3A_868 : vector<16xf32> to vector<1x1x1x16xf32>
      tpu.vector_store %arg9[%swap3A_872, %swap3A_873, %swap3A_874, %swap3A_875], %swap3A_878 {add = true, strides = array<i32>} : memref<1x20x3x16xf32, #tpu.memory_space<vmem>>, vector<1x1x1x16xf32>,
      %select_n3A_879 = arith.select %and3A_856, %get3A_665, %broadcast_in_dim3A_3 : vector<16xi1>, vector<16xf32>
      %swap3A_880 = arith.constant 0 : i32
      %swap3A_881 = arith.constant 5 : i32
      %swap3A_882 = arith.constant 2 : i32
      %swap3A_883 = arith.index_cast %swap3A_880 : i32 to index
      %swap3A_884 = arith.index_cast %swap3A_881 : i32 to index
      %swap3A_885 = arith.index_cast %swap3A_882 : i32 to index
      %swap3A_886 = arith.constant 0 : index
      %swap3A_887 = tpu.vector_load %arg9[%swap3A_883, %swap3A_884, %swap3A_885, %swap3A_886] {strides = array<i32>} : memref<1x20x3x16xf32, #tpu.memory_space<vmem>>, vector<1x1x1x16xf32>,
      %swap3A_888 = vector.shape_cast %swap3A_887 : vector<1x1x1x16xf32> to vector<16xf32>
      %swap3A_889 = vector.shape_cast %select_n3A_879 : vector<16xf32> to vector<1x1x1x16xf32>
      tpu.vector_store %arg9[%swap3A_883, %swap3A_884, %swap3A_885, %swap3A_886], %swap3A_889 {add = true, strides = array<i32>} : memref<1x20x3x16xf32, #tpu.memory_space<vmem>>, vector<1x1x1x16xf32>,
      %gt3A_890 = vector.broadcast %squeeze3A_621 : f32 to vector<16xf32>
      %gt3A_891 = arith.cmpf ogt, %get3A_660, %gt3A_890 : vector<16xf32>
      %le3A_892 = vector.broadcast %squeeze3A_623 : f32 to vector<16xf32>
      %le3A_893 = arith.cmpf ole, %get3A_660, %le3A_892 : vector<16xf32>
      %and3A_894 = arith.andi %gt3A_891, %le3A_893 : vector<16xi1>
      %select_n3A_895 = arith.select %and3A_894, %broadcast_in_dim3A_5, %broadcast_in_dim3A_3 : vector<16xi1>, vector<16xf32>
      %swap3A_896 = arith.constant 0 : i32
      %swap3A_897 = arith.constant 6 : i32
      %swap3A_898 = arith.constant 0 : i32
      %swap3A_899 = arith.index_cast %swap3A_896 : i32 to index
      %swap3A_900 = arith.index_cast %swap3A_897 : i32 to index
      %swap3A_901 = arith.index_cast %swap3A_898 : i32 to index
      %swap3A_902 = arith.constant 0 : index
      %swap3A_903 = tpu.vector_load %arg9[%swap3A_899, %swap3A_900, %swap3A_901, %swap3A_902] {strides = array<i32>} : memref<1x20x3x16xf32, #tpu.memory_space<vmem>>, vector<1x1x1x16xf32>,
      %swap3A_904 = vector.shape_cast %swap3A_903 : vector<1x1x1x16xf32> to vector<16xf32>
      %swap3A_905 = vector.shape_cast %select_n3A_895 : vector<16xf32> to vector<1x1x1x16xf32>
      tpu.vector_store %arg9[%swap3A_899, %swap3A_900, %swap3A_901, %swap3A_902], %swap3A_905 {add = true, strides = array<i32>} : memref<1x20x3x16xf32, #tpu.memory_space<vmem>>, vector<1x1x1x16xf32>,
      %select_n3A_906 = arith.select %and3A_894, %get3A_660, %broadcast_in_dim3A_3 : vector<16xi1>, vector<16xf32>
      %swap3A_907 = arith.constant 0 : i32
      %swap3A_908 = arith.constant 6 : i32
      %swap3A_909 = arith.constant 1 : i32
      %swap3A_910 = arith.index_cast %swap3A_907 : i32 to index
      %swap3A_911 = arith.index_cast %swap3A_908 : i32 to index
      %swap3A_912 = arith.index_cast %swap3A_909 : i32 to index
      %swap3A_913 = arith.constant 0 : index
      %swap3A_914 = tpu.vector_load %arg9[%swap3A_910, %swap3A_911, %swap3A_912, %swap3A_913] {strides = array<i32>} : memref<1x20x3x16xf32, #tpu.memory_space<vmem>>, vector<1x1x1x16xf32>,
      %swap3A_915 = vector.shape_cast %swap3A_914 : vector<1x1x1x16xf32> to vector<16xf32>
      %swap3A_916 = vector.shape_cast %select_n3A_906 : vector<16xf32> to vector<1x1x1x16xf32>
      tpu.vector_store %arg9[%swap3A_910, %swap3A_911, %swap3A_912, %swap3A_913], %swap3A_916 {add = true, strides = array<i32>} : memref<1x20x3x16xf32, #tpu.memory_space<vmem>>, vector<1x1x1x16xf32>,
      %select_n3A_917 = arith.select %and3A_894, %get3A_665, %broadcast_in_dim3A_3 : vector<16xi1>, vector<16xf32>
      %swap3A_918 = arith.constant 0 : i32
      %swap3A_919 = arith.constant 6 : i32
      %swap3A_920 = arith.constant 2 : i32
      %swap3A_921 = arith.index_cast %swap3A_918 : i32 to index
      %swap3A_922 = arith.index_cast %swap3A_919 : i32 to index
      %swap3A_923 = arith.index_cast %swap3A_920 : i32 to index
      %swap3A_924 = arith.constant 0 : index
      %swap3A_925 = tpu.vector_load %arg9[%swap3A_921, %swap3A_922, %swap3A_923, %swap3A_924] {strides = array<i32>} : memref<1x20x3x16xf32, #tpu.memory_space<vmem>>, vector<1x1x1x16xf32>,
      %swap3A_926 = vector.shape_cast %swap3A_925 : vector<1x1x1x16xf32> to vector<16xf32>
      %swap3A_927 = vector.shape_cast %select_n3A_917 : vector<16xf32> to vector<1x1x1x16xf32>
      tpu.vector_store %arg9[%swap3A_921, %swap3A_922, %swap3A_923, %swap3A_924], %swap3A_927 {add = true, strides = array<i32>} : memref<1x20x3x16xf32, #tpu.memory_space<vmem>>, vector<1x1x1x16xf32>,
      %gt3A_928 = vector.broadcast %squeeze3A_623 : f32 to vector<16xf32>
      %gt3A_929 = arith.cmpf ogt, %get3A_660, %gt3A_928 : vector<16xf32>
      %le3A_930 = vector.broadcast %squeeze3A_625 : f32 to vector<16xf32>
      %le3A_931 = arith.cmpf ole, %get3A_660, %le3A_930 : vector<16xf32>
      %and3A_932 = arith.andi %gt3A_929, %le3A_931 : vector<16xi1>
      %select_n3A_933 = arith.select %and3A_932, %broadcast_in_dim3A_5, %broadcast_in_dim3A_3 : vector<16xi1>, vector<16xf32>
      %swap3A_934 = arith.constant 0 : i32
      %swap3A_935 = arith.constant 7 : i32
      %swap3A_936 = arith.constant 0 : i32
      %swap3A_937 = arith.index_cast %swap3A_934 : i32 to index
      %swap3A_938 = arith.index_cast %swap3A_935 : i32 to index
      %swap3A_939 = arith.index_cast %swap3A_936 : i32 to index
      %swap3A_940 = arith.constant 0 : index
      %swap3A_941 = tpu.vector_load %arg9[%swap3A_937, %swap3A_938, %swap3A_939, %swap3A_940] {strides = array<i32>} : memref<1x20x3x16xf32, #tpu.memory_space<vmem>>, vector<1x1x1x16xf32>,
      %swap3A_942 = vector.shape_cast %swap3A_941 : vector<1x1x1x16xf32> to vector<16xf32>
      %swap3A_943 = vector.shape_cast %select_n3A_933 : vector<16xf32> to vector<1x1x1x16xf32>
      tpu.vector_store %arg9[%swap3A_937, %swap3A_938, %swap3A_939, %swap3A_940], %swap3A_943 {add = true, strides = array<i32>} : memref<1x20x3x16xf32, #tpu.memory_space<vmem>>, vector<1x1x1x16xf32>,
      %select_n3A_944 = arith.select %and3A_932, %get3A_660, %broadcast_in_dim3A_3 : vector<16xi1>, vector<16xf32>
      %swap3A_945 = arith.constant 0 : i32
      %swap3A_946 = arith.constant 7 : i32
      %swap3A_947 = arith.constant 1 : i32
      %swap3A_948 = arith.index_cast %swap3A_945 : i32 to index
      %swap3A_949 = arith.index_cast %swap3A_946 : i32 to index
      %swap3A_950 = arith.index_cast %swap3A_947 : i32 to index
      %swap3A_951 = arith.constant 0 : index
      %swap3A_952 = tpu.vector_load %arg9[%swap3A_948, %swap3A_949, %swap3A_950, %swap3A_951] {strides = array<i32>} : memref<1x20x3x16xf32, #tpu.memory_space<vmem>>, vector<1x1x1x16xf32>,
      %swap3A_953 = vector.shape_cast %swap3A_952 : vector<1x1x1x16xf32> to vector<16xf32>
      %swap3A_954 = vector.shape_cast %select_n3A_944 : vector<16xf32> to vector<1x1x1x16xf32>
      tpu.vector_store %arg9[%swap3A_948, %swap3A_949, %swap3A_950, %swap3A_951], %swap3A_954 {add = true, strides = array<i32>} : memref<1x20x3x16xf32, #tpu.memory_space<vmem>>, vector<1x1x1x16xf32>,
      %select_n3A_955 = arith.select %and3A_932, %get3A_665, %broadcast_in_dim3A_3 : vector<16xi1>, vector<16xf32>
      %swap3A_956 = arith.constant 0 : i32
      %swap3A_957 = arith.constant 7 : i32
      %swap3A_958 = arith.constant 2 : i32
      %swap3A_959 = arith.index_cast %swap3A_956 : i32 to index
      %swap3A_960 = arith.index_cast %swap3A_957 : i32 to index
      %swap3A_961 = arith.index_cast %swap3A_958 : i32 to index
      %swap3A_962 = arith.constant 0 : index
      %swap3A_963 = tpu.vector_load %arg9[%swap3A_959, %swap3A_960, %swap3A_961, %swap3A_962] {strides = array<i32>} : memref<1x20x3x16xf32, #tpu.memory_space<vmem>>, vector<1x1x1x16xf32>,
      %swap3A_964 = vector.shape_cast %swap3A_963 : vector<1x1x1x16xf32> to vector<16xf32>
      %swap3A_965 = vector.shape_cast %select_n3A_955 : vector<16xf32> to vector<1x1x1x16xf32>
      tpu.vector_store %arg9[%swap3A_959, %swap3A_960, %swap3A_961, %swap3A_962], %swap3A_965 {add = true, strides = array<i32>} : memref<1x20x3x16xf32, #tpu.memory_space<vmem>>, vector<1x1x1x16xf32>,
      %gt3A_966 = vector.broadcast %squeeze3A_625 : f32 to vector<16xf32>
      %gt3A_967 = arith.cmpf ogt, %get3A_660, %gt3A_966 : vector<16xf32>
      %le3A_968 = vector.broadcast %squeeze3A_627 : f32 to vector<16xf32>
      %le3A_969 = arith.cmpf ole, %get3A_660, %le3A_968 : vector<16xf32>
      %and3A_970 = arith.andi %gt3A_967, %le3A_969 : vector<16xi1>
      %select_n3A_971 = arith.select %and3A_970, %broadcast_in_dim3A_5, %broadcast_in_dim3A_3 : vector<16xi1>, vector<16xf32>
      %swap3A_972 = arith.constant 0 : i32
      %swap3A_973 = arith.constant 8 : i32
      %swap3A_974 = arith.constant 0 : i32
      %swap3A_975 = arith.index_cast %swap3A_972 : i32 to index
      %swap3A_976 = arith.index_cast %swap3A_973 : i32 to index
      %swap3A_977 = arith.index_cast %swap3A_974 : i32 to index
      %swap3A_978 = arith.constant 0 : index
      %swap3A_979 = tpu.vector_load %arg9[%swap3A_975, %swap3A_976, %swap3A_977, %swap3A_978] {strides = array<i32>} : memref<1x20x3x16xf32, #tpu.memory_space<vmem>>, vector<1x1x1x16xf32>,
      %swap3A_980 = vector.shape_cast %swap3A_979 : vector<1x1x1x16xf32> to vector<16xf32>
      %swap3A_981 = vector.shape_cast %select_n3A_971 : vector<16xf32> to vector<1x1x1x16xf32>
      tpu.vector_store %arg9[%swap3A_975, %swap3A_976, %swap3A_977, %swap3A_978], %swap3A_981 {add = true, strides = array<i32>} : memref<1x20x3x16xf32, #tpu.memory_space<vmem>>, vector<1x1x1x16xf32>,
      %select_n3A_982 = arith.select %and3A_970, %get3A_660, %broadcast_in_dim3A_3 : vector<16xi1>, vector<16xf32>
      %swap3A_983 = arith.constant 0 : i32
      %swap3A_984 = arith.constant 8 : i32
      %swap3A_985 = arith.constant 1 : i32
      %swap3A_986 = arith.index_cast %swap3A_983 : i32 to index
      %swap3A_987 = arith.index_cast %swap3A_984 : i32 to index
      %swap3A_988 = arith.index_cast %swap3A_985 : i32 to index
      %swap3A_989 = arith.constant 0 : index
      %swap3A_990 = tpu.vector_load %arg9[%swap3A_986, %swap3A_987, %swap3A_988, %swap3A_989] {strides = array<i32>} : memref<1x20x3x16xf32, #tpu.memory_space<vmem>>, vector<1x1x1x16xf32>,
      %swap3A_991 = vector.shape_cast %swap3A_990 : vector<1x1x1x16xf32> to vector<16xf32>
      %swap3A_992 = vector.shape_cast %select_n3A_982 : vector<16xf32> to vector<1x1x1x16xf32>
      tpu.vector_store %arg9[%swap3A_986, %swap3A_987, %swap3A_988, %swap3A_989], %swap3A_992 {add = true, strides = array<i32>} : memref<1x20x3x16xf32, #tpu.memory_space<vmem>>, vector<1x1x1x16xf32>,
      %select_n3A_993 = arith.select %and3A_970, %get3A_665, %broadcast_in_dim3A_3 : vector<16xi1>, vector<16xf32>
      %swap3A_994 = arith.constant 0 : i32
      %swap3A_995 = arith.constant 8 : i32
      %swap3A_996 = arith.constant 2 : i32
      %swap3A_997 = arith.index_cast %swap3A_994 : i32 to index
      %swap3A_998 = arith.index_cast %swap3A_995 : i32 to index
      %swap3A_999 = arith.index_cast %swap3A_996 : i32 to index
      %swap3A_1000 = arith.constant 0 : index
      %swap3A_1001 = tpu.vector_load %arg9[%swap3A_997, %swap3A_998, %swap3A_999, %swap3A_1000] {strides = array<i32>} : memref<1x20x3x16xf32, #tpu.memory_space<vmem>>, vector<1x1x1x16xf32>,
      %swap3A_1002 = vector.shape_cast %swap3A_1001 : vector<1x1x1x16xf32> to vector<16xf32>
      %swap3A_1003 = vector.shape_cast %select_n3A_993 : vector<16xf32> to vector<1x1x1x16xf32>
      tpu.vector_store %arg9[%swap3A_997, %swap3A_998, %swap3A_999, %swap3A_1000], %swap3A_1003 {add = true, strides = array<i32>} : memref<1x20x3x16xf32, #tpu.memory_space<vmem>>, vector<1x1x1x16xf32>,
      %gt3A_1004 = vector.broadcast %squeeze3A_627 : f32 to vector<16xf32>
      %gt3A_1005 = arith.cmpf ogt, %get3A_660, %gt3A_1004 : vector<16xf32>
      %le3A_1006 = vector.broadcast %squeeze3A_629 : f32 to vector<16xf32>
      %le3A_1007 = arith.cmpf ole, %get3A_660, %le3A_1006 : vector<16xf32>
      %and3A_1008 = arith.andi %gt3A_1005, %le3A_1007 : vector<16xi1>
      %select_n3A_1009 = arith.select %and3A_1008, %broadcast_in_dim3A_5, %broadcast_in_dim3A_3 : vector<16xi1>, vector<16xf32>
      %swap3A_1010 = arith.constant 0 : i32
      %swap3A_1011 = arith.constant 9 : i32
      %swap3A_1012 = arith.constant 0 : i32
      %swap3A_1013 = arith.index_cast %swap3A_1010 : i32 to index
      %swap3A_1014 = arith.index_cast %swap3A_1011 : i32 to index
      %swap3A_1015 = arith.index_cast %swap3A_1012 : i32 to index
      %swap3A_1016 = arith.constant 0 : index
      %swap3A_1017 = tpu.vector_load %arg9[%swap3A_1013, %swap3A_1014, %swap3A_1015, %swap3A_1016] {strides = array<i32>} : memref<1x20x3x16xf32, #tpu.memory_space<vmem>>, vector<1x1x1x16xf32>,
      %swap3A_1018 = vector.shape_cast %swap3A_1017 : vector<1x1x1x16xf32> to vector<16xf32>
      %swap3A_1019 = vector.shape_cast %select_n3A_1009 : vector<16xf32> to vector<1x1x1x16xf32>
      tpu.vector_store %arg9[%swap3A_1013, %swap3A_1014, %swap3A_1015, %swap3A_1016], %swap3A_1019 {add = true, strides = array<i32>} : memref<1x20x3x16xf32, #tpu.memory_space<vmem>>, vector<1x1x1x16xf32>,
      %select_n3A_1020 = arith.select %and3A_1008, %get3A_660, %broadcast_in_dim3A_3 : vector<16xi1>, vector<16xf32>
      %swap3A_1021 = arith.constant 0 : i32
      %swap3A_1022 = arith.constant 9 : i32
      %swap3A_1023 = arith.constant 1 : i32
      %swap3A_1024 = arith.index_cast %swap3A_1021 : i32 to index
      %swap3A_1025 = arith.index_cast %swap3A_1022 : i32 to index
      %swap3A_1026 = arith.index_cast %swap3A_1023 : i32 to index
      %swap3A_1027 = arith.constant 0 : index
      %swap3A_1028 = tpu.vector_load %arg9[%swap3A_1024, %swap3A_1025, %swap3A_1026, %swap3A_1027] {strides = array<i32>} : memref<1x20x3x16xf32, #tpu.memory_space<vmem>>, vector<1x1x1x16xf32>,
      %swap3A_1029 = vector.shape_cast %swap3A_1028 : vector<1x1x1x16xf32> to vector<16xf32>
      %swap3A_1030 = vector.shape_cast %select_n3A_1020 : vector<16xf32> to vector<1x1x1x16xf32>
      tpu.vector_store %arg9[%swap3A_1024, %swap3A_1025, %swap3A_1026, %swap3A_1027], %swap3A_1030 {add = true, strides = array<i32>} : memref<1x20x3x16xf32, #tpu.memory_space<vmem>>, vector<1x1x1x16xf32>,
      %select_n3A_1031 = arith.select %and3A_1008, %get3A_665, %broadcast_in_dim3A_3 : vector<16xi1>, vector<16xf32>
      %swap3A_1032 = arith.constant 0 : i32
      %swap3A_1033 = arith.constant 9 : i32
      %swap3A_1034 = arith.constant 2 : i32
      %swap3A_1035 = arith.index_cast %swap3A_1032 : i32 to index
      %swap3A_1036 = arith.index_cast %swap3A_1033 : i32 to index
      %swap3A_1037 = arith.index_cast %swap3A_1034 : i32 to index
      %swap3A_1038 = arith.constant 0 : index
      %swap3A_1039 = tpu.vector_load %arg9[%swap3A_1035, %swap3A_1036, %swap3A_1037, %swap3A_1038] {strides = array<i32>} : memref<1x20x3x16xf32, #tpu.memory_space<vmem>>, vector<1x1x1x16xf32>,
      %swap3A_1040 = vector.shape_cast %swap3A_1039 : vector<1x1x1x16xf32> to vector<16xf32>
      %swap3A_1041 = vector.shape_cast %select_n3A_1031 : vector<16xf32> to vector<1x1x1x16xf32>
      tpu.vector_store %arg9[%swap3A_1035, %swap3A_1036, %swap3A_1037, %swap3A_1038], %swap3A_1041 {add = true, strides = array<i32>} : memref<1x20x3x16xf32, #tpu.memory_space<vmem>>, vector<1x1x1x16xf32>,
      %gt3A_1042 = vector.broadcast %squeeze3A_629 : f32 to vector<16xf32>
      %gt3A_1043 = arith.cmpf ogt, %get3A_660, %gt3A_1042 : vector<16xf32>
      %le3A_1044 = vector.broadcast %squeeze3A_631 : f32 to vector<16xf32>
      %le3A_1045 = arith.cmpf ole, %get3A_660, %le3A_1044 : vector<16xf32>
      %and3A_1046 = arith.andi %gt3A_1043, %le3A_1045 : vector<16xi1>
      %select_n3A_1047 = arith.select %and3A_1046, %broadcast_in_dim3A_5, %broadcast_in_dim3A_3 : vector<16xi1>, vector<16xf32>
      %swap3A_1048 = arith.constant 0 : i32
      %swap3A_1049 = arith.constant 10 : i32
      %swap3A_1050 = arith.constant 0 : i32
      %swap3A_1051 = arith.index_cast %swap3A_1048 : i32 to index
      %swap3A_1052 = arith.index_cast %swap3A_1049 : i32 to index
      %swap3A_1053 = arith.index_cast %swap3A_1050 : i32 to index
      %swap3A_1054 = arith.constant 0 : index
      %swap3A_1055 = tpu.vector_load %arg9[%swap3A_1051, %swap3A_1052, %swap3A_1053, %swap3A_1054] {strides = array<i32>} : memref<1x20x3x16xf32, #tpu.memory_space<vmem>>, vector<1x1x1x16xf32>,
      %swap3A_1056 = vector.shape_cast %swap3A_1055 : vector<1x1x1x16xf32> to vector<16xf32>
      %swap3A_1057 = vector.shape_cast %select_n3A_1047 : vector<16xf32> to vector<1x1x1x16xf32>
      tpu.vector_store %arg9[%swap3A_1051, %swap3A_1052, %swap3A_1053, %swap3A_1054], %swap3A_1057 {add = true, strides = array<i32>} : memref<1x20x3x16xf32, #tpu.memory_space<vmem>>, vector<1x1x1x16xf32>,
      %select_n3A_1058 = arith.select %and3A_1046, %get3A_660, %broadcast_in_dim3A_3 : vector<16xi1>, vector<16xf32>
      %swap3A_1059 = arith.constant 0 : i32
      %swap3A_1060 = arith.constant 10 : i32
      %swap3A_1061 = arith.constant 1 : i32
      %swap3A_1062 = arith.index_cast %swap3A_1059 : i32 to index
      %swap3A_1063 = arith.index_cast %swap3A_1060 : i32 to index
      %swap3A_1064 = arith.index_cast %swap3A_1061 : i32 to index
      %swap3A_1065 = arith.constant 0 : index
      %swap3A_1066 = tpu.vector_load %arg9[%swap3A_1062, %swap3A_1063, %swap3A_1064, %swap3A_1065] {strides = array<i32>} : memref<1x20x3x16xf32, #tpu.memory_space<vmem>>, vector<1x1x1x16xf32>,
      %swap3A_1067 = vector.shape_cast %swap3A_1066 : vector<1x1x1x16xf32> to vector<16xf32>
      %swap3A_1068 = vector.shape_cast %select_n3A_1058 : vector<16xf32> to vector<1x1x1x16xf32>
      tpu.vector_store %arg9[%swap3A_1062, %swap3A_1063, %swap3A_1064, %swap3A_1065], %swap3A_1068 {add = true, strides = array<i32>} : memref<1x20x3x16xf32, #tpu.memory_space<vmem>>, vector<1x1x1x16xf32>,
      %select_n3A_1069 = arith.select %and3A_1046, %get3A_665, %broadcast_in_dim3A_3 : vector<16xi1>, vector<16xf32>
      %swap3A_1070 = arith.constant 0 : i32
      %swap3A_1071 = arith.constant 10 : i32
      %swap3A_1072 = arith.constant 2 : i32
      %swap3A_1073 = arith.index_cast %swap3A_1070 : i32 to index
      %swap3A_1074 = arith.index_cast %swap3A_1071 : i32 to index
      %swap3A_1075 = arith.index_cast %swap3A_1072 : i32 to index
      %swap3A_1076 = arith.constant 0 : index
      %swap3A_1077 = tpu.vector_load %arg9[%swap3A_1073, %swap3A_1074, %swap3A_1075, %swap3A_1076] {strides = array<i32>} : memref<1x20x3x16xf32, #tpu.memory_space<vmem>>, vector<1x1x1x16xf32>,
      %swap3A_1078 = vector.shape_cast %swap3A_1077 : vector<1x1x1x16xf32> to vector<16xf32>
      %swap3A_1079 = vector.shape_cast %select_n3A_1069 : vector<16xf32> to vector<1x1x1x16xf32>
      tpu.vector_store %arg9[%swap3A_1073, %swap3A_1074, %swap3A_1075, %swap3A_1076], %swap3A_1079 {add = true, strides = array<i32>} : memref<1x20x3x16xf32, #tpu.memory_space<vmem>>, vector<1x1x1x16xf32>,
      %gt3A_1080 = vector.broadcast %squeeze3A_631 : f32 to vector<16xf32>
      %gt3A_1081 = arith.cmpf ogt, %get3A_660, %gt3A_1080 : vector<16xf32>
      %le3A_1082 = vector.broadcast %squeeze3A_633 : f32 to vector<16xf32>
      %le3A_1083 = arith.cmpf ole, %get3A_660, %le3A_1082 : vector<16xf32>
      %and3A_1084 = arith.andi %gt3A_1081, %le3A_1083 : vector<16xi1>
      %select_n3A_1085 = arith.select %and3A_1084, %broadcast_in_dim3A_5, %broadcast_in_dim3A_3 : vector<16xi1>, vector<16xf32>
      %swap3A_1086 = arith.constant 0 : i32
      %swap3A_1087 = arith.constant 11 : i32
      %swap3A_1088 = arith.constant 0 : i32
      %swap3A_1089 = arith.index_cast %swap3A_1086 : i32 to index
      %swap3A_1090 = arith.index_cast %swap3A_1087 : i32 to index
      %swap3A_1091 = arith.index_cast %swap3A_1088 : i32 to index
      %swap3A_1092 = arith.constant 0 : index
      %swap3A_1093 = tpu.vector_load %arg9[%swap3A_1089, %swap3A_1090, %swap3A_1091, %swap3A_1092] {strides = array<i32>} : memref<1x20x3x16xf32, #tpu.memory_space<vmem>>, vector<1x1x1x16xf32>,
      %swap3A_1094 = vector.shape_cast %swap3A_1093 : vector<1x1x1x16xf32> to vector<16xf32>
      %swap3A_1095 = vector.shape_cast %select_n3A_1085 : vector<16xf32> to vector<1x1x1x16xf32>
      tpu.vector_store %arg9[%swap3A_1089, %swap3A_1090, %swap3A_1091, %swap3A_1092], %swap3A_1095 {add = true, strides = array<i32>} : memref<1x20x3x16xf32, #tpu.memory_space<vmem>>, vector<1x1x1x16xf32>,
      %select_n3A_1096 = arith.select %and3A_1084, %get3A_660, %broadcast_in_dim3A_3 : vector<16xi1>, vector<16xf32>
      %swap3A_1097 = arith.constant 0 : i32
      %swap3A_1098 = arith.constant 11 : i32
      %swap3A_1099 = arith.constant 1 : i32
      %swap3A_1100 = arith.index_cast %swap3A_1097 : i32 to index
      %swap3A_1101 = arith.index_cast %swap3A_1098 : i32 to index
      %swap3A_1102 = arith.index_cast %swap3A_1099 : i32 to index
      %swap3A_1103 = arith.constant 0 : index
      %swap3A_1104 = tpu.vector_load %arg9[%swap3A_1100, %swap3A_1101, %swap3A_1102, %swap3A_1103] {strides = array<i32>} : memref<1x20x3x16xf32, #tpu.memory_space<vmem>>, vector<1x1x1x16xf32>,
      %swap3A_1105 = vector.shape_cast %swap3A_1104 : vector<1x1x1x16xf32> to vector<16xf32>
      %swap3A_1106 = vector.shape_cast %select_n3A_1096 : vector<16xf32> to vector<1x1x1x16xf32>
      tpu.vector_store %arg9[%swap3A_1100, %swap3A_1101, %swap3A_1102, %swap3A_1103], %swap3A_1106 {add = true, strides = array<i32>} : memref<1x20x3x16xf32, #tpu.memory_space<vmem>>, vector<1x1x1x16xf32>,
      %select_n3A_1107 = arith.select %and3A_1084, %get3A_665, %broadcast_in_dim3A_3 : vector<16xi1>, vector<16xf32>
      %swap3A_1108 = arith.constant 0 : i32
      %swap3A_1109 = arith.constant 11 : i32
      %swap3A_1110 = arith.constant 2 : i32
      %swap3A_1111 = arith.index_cast %swap3A_1108 : i32 to index
      %swap3A_1112 = arith.index_cast %swap3A_1109 : i32 to index
      %swap3A_1113 = arith.index_cast %swap3A_1110 : i32 to index
      %swap3A_1114 = arith.constant 0 : index
      %swap3A_1115 = tpu.vector_load %arg9[%swap3A_1111, %swap3A_1112, %swap3A_1113, %swap3A_1114] {strides = array<i32>} : memref<1x20x3x16xf32, #tpu.memory_space<vmem>>, vector<1x1x1x16xf32>,
      %swap3A_1116 = vector.shape_cast %swap3A_1115 : vector<1x1x1x16xf32> to vector<16xf32>
      %swap3A_1117 = vector.shape_cast %select_n3A_1107 : vector<16xf32> to vector<1x1x1x16xf32>
      tpu.vector_store %arg9[%swap3A_1111, %swap3A_1112, %swap3A_1113, %swap3A_1114], %swap3A_1117 {add = true, strides = array<i32>} : memref<1x20x3x16xf32, #tpu.memory_space<vmem>>, vector<1x1x1x16xf32>,
      %gt3A_1118 = vector.broadcast %squeeze3A_633 : f32 to vector<16xf32>
      %gt3A_1119 = arith.cmpf ogt, %get3A_660, %gt3A_1118 : vector<16xf32>
      %le3A_1120 = vector.broadcast %squeeze3A_635 : f32 to vector<16xf32>
      %le3A_1121 = arith.cmpf ole, %get3A_660, %le3A_1120 : vector<16xf32>
      %and3A_1122 = arith.andi %gt3A_1119, %le3A_1121 : vector<16xi1>
      %select_n3A_1123 = arith.select %and3A_1122, %broadcast_in_dim3A_5, %broadcast_in_dim3A_3 : vector<16xi1>, vector<16xf32>
      %swap3A_1124 = arith.constant 0 : i32
      %swap3A_1125 = arith.constant 12 : i32
      %swap3A_1126 = arith.constant 0 : i32
      %swap3A_1127 = arith.index_cast %swap3A_1124 : i32 to index
      %swap3A_1128 = arith.index_cast %swap3A_1125 : i32 to index
      %swap3A_1129 = arith.index_cast %swap3A_1126 : i32 to index
      %swap3A_1130 = arith.constant 0 : index
      %swap3A_1131 = tpu.vector_load %arg9[%swap3A_1127, %swap3A_1128, %swap3A_1129, %swap3A_1130] {strides = array<i32>} : memref<1x20x3x16xf32, #tpu.memory_space<vmem>>, vector<1x1x1x16xf32>,
      %swap3A_1132 = vector.shape_cast %swap3A_1131 : vector<1x1x1x16xf32> to vector<16xf32>
      %swap3A_1133 = vector.shape_cast %select_n3A_1123 : vector<16xf32> to vector<1x1x1x16xf32>
      tpu.vector_store %arg9[%swap3A_1127, %swap3A_1128, %swap3A_1129, %swap3A_1130], %swap3A_1133 {add = true, strides = array<i32>} : memref<1x20x3x16xf32, #tpu.memory_space<vmem>>, vector<1x1x1x16xf32>,
      %select_n3A_1134 = arith.select %and3A_1122, %get3A_660, %broadcast_in_dim3A_3 : vector<16xi1>, vector<16xf32>
      %swap3A_1135 = arith.constant 0 : i32
      %swap3A_1136 = arith.constant 12 : i32
      %swap3A_1137 = arith.constant 1 : i32
      %swap3A_1138 = arith.index_cast %swap3A_1135 : i32 to index
      %swap3A_1139 = arith.index_cast %swap3A_1136 : i32 to index
      %swap3A_1140 = arith.index_cast %swap3A_1137 : i32 to index
      %swap3A_1141 = arith.constant 0 : index
      %swap3A_1142 = tpu.vector_load %arg9[%swap3A_1138, %swap3A_1139, %swap3A_1140, %swap3A_1141] {strides = array<i32>} : memref<1x20x3x16xf32, #tpu.memory_space<vmem>>, vector<1x1x1x16xf32>,
      %swap3A_1143 = vector.shape_cast %swap3A_1142 : vector<1x1x1x16xf32> to vector<16xf32>
      %swap3A_1144 = vector.shape_cast %select_n3A_1134 : vector<16xf32> to vector<1x1x1x16xf32>
      tpu.vector_store %arg9[%swap3A_1138, %swap3A_1139, %swap3A_1140, %swap3A_1141], %swap3A_1144 {add = true, strides = array<i32>} : memref<1x20x3x16xf32, #tpu.memory_space<vmem>>, vector<1x1x1x16xf32>,
      %select_n3A_1145 = arith.select %and3A_1122, %get3A_665, %broadcast_in_dim3A_3 : vector<16xi1>, vector<16xf32>
      %swap3A_1146 = arith.constant 0 : i32
      %swap3A_1147 = arith.constant 12 : i32
      %swap3A_1148 = arith.constant 2 : i32
      %swap3A_1149 = arith.index_cast %swap3A_1146 : i32 to index
      %swap3A_1150 = arith.index_cast %swap3A_1147 : i32 to index
      %swap3A_1151 = arith.index_cast %swap3A_1148 : i32 to index
      %swap3A_1152 = arith.constant 0 : index
      %swap3A_1153 = tpu.vector_load %arg9[%swap3A_1149, %swap3A_1150, %swap3A_1151, %swap3A_1152] {strides = array<i32>} : memref<1x20x3x16xf32, #tpu.memory_space<vmem>>, vector<1x1x1x16xf32>,
      %swap3A_1154 = vector.shape_cast %swap3A_1153 : vector<1x1x1x16xf32> to vector<16xf32>
      %swap3A_1155 = vector.shape_cast %select_n3A_1145 : vector<16xf32> to vector<1x1x1x16xf32>
      tpu.vector_store %arg9[%swap3A_1149, %swap3A_1150, %swap3A_1151, %swap3A_1152], %swap3A_1155 {add = true, strides = array<i32>} : memref<1x20x3x16xf32, #tpu.memory_space<vmem>>, vector<1x1x1x16xf32>,
      %gt3A_1156 = vector.broadcast %squeeze3A_635 : f32 to vector<16xf32>
      %gt3A_1157 = arith.cmpf ogt, %get3A_660, %gt3A_1156 : vector<16xf32>
      %le3A_1158 = vector.broadcast %squeeze3A_637 : f32 to vector<16xf32>
      %le3A_1159 = arith.cmpf ole, %get3A_660, %le3A_1158 : vector<16xf32>
      %and3A_1160 = arith.andi %gt3A_1157, %le3A_1159 : vector<16xi1>
      %select_n3A_1161 = arith.select %and3A_1160, %broadcast_in_dim3A_5, %broadcast_in_dim3A_3 : vector<16xi1>, vector<16xf32>
      %swap3A_1162 = arith.constant 0 : i32
      %swap3A_1163 = arith.constant 13 : i32
      %swap3A_1164 = arith.constant 0 : i32
      %swap3A_1165 = arith.index_cast %swap3A_1162 : i32 to index
      %swap3A_1166 = arith.index_cast %swap3A_1163 : i32 to index
      %swap3A_1167 = arith.index_cast %swap3A_1164 : i32 to index
      %swap3A_1168 = arith.constant 0 : index
      %swap3A_1169 = tpu.vector_load %arg9[%swap3A_1165, %swap3A_1166, %swap3A_1167, %swap3A_1168] {strides = array<i32>} : memref<1x20x3x16xf32, #tpu.memory_space<vmem>>, vector<1x1x1x16xf32>,
      %swap3A_1170 = vector.shape_cast %swap3A_1169 : vector<1x1x1x16xf32> to vector<16xf32>
      %swap3A_1171 = vector.shape_cast %select_n3A_1161 : vector<16xf32> to vector<1x1x1x16xf32>
      tpu.vector_store %arg9[%swap3A_1165, %swap3A_1166, %swap3A_1167, %swap3A_1168], %swap3A_1171 {add = true, strides = array<i32>} : memref<1x20x3x16xf32, #tpu.memory_space<vmem>>, vector<1x1x1x16xf32>,
      %select_n3A_1172 = arith.select %and3A_1160, %get3A_660, %broadcast_in_dim3A_3 : vector<16xi1>, vector<16xf32>
      %swap3A_1173 = arith.constant 0 : i32
      %swap3A_1174 = arith.constant 13 : i32
      %swap3A_1175 = arith.constant 1 : i32
      %swap3A_1176 = arith.index_cast %swap3A_1173 : i32 to index
      %swap3A_1177 = arith.index_cast %swap3A_1174 : i32 to index
      %swap3A_1178 = arith.index_cast %swap3A_1175 : i32 to index
      %swap3A_1179 = arith.constant 0 : index
      %swap3A_1180 = tpu.vector_load %arg9[%swap3A_1176, %swap3A_1177, %swap3A_1178, %swap3A_1179] {strides = array<i32>} : memref<1x20x3x16xf32, #tpu.memory_space<vmem>>, vector<1x1x1x16xf32>,
      %swap3A_1181 = vector.shape_cast %swap3A_1180 : vector<1x1x1x16xf32> to vector<16xf32>
      %swap3A_1182 = vector.shape_cast %select_n3A_1172 : vector<16xf32> to vector<1x1x1x16xf32>
      tpu.vector_store %arg9[%swap3A_1176, %swap3A_1177, %swap3A_1178, %swap3A_1179], %swap3A_1182 {add = true, strides = array<i32>} : memref<1x20x3x16xf32, #tpu.memory_space<vmem>>, vector<1x1x1x16xf32>,
      %select_n3A_1183 = arith.select %and3A_1160, %get3A_665, %broadcast_in_dim3A_3 : vector<16xi1>, vector<16xf32>
      %swap3A_1184 = arith.constant 0 : i32
      %swap3A_1185 = arith.constant 13 : i32
      %swap3A_1186 = arith.constant 2 : i32
      %swap3A_1187 = arith.index_cast %swap3A_1184 : i32 to index
      %swap3A_1188 = arith.index_cast %swap3A_1185 : i32 to index
      %swap3A_1189 = arith.index_cast %swap3A_1186 : i32 to index
      %swap3A_1190 = arith.constant 0 : index
      %swap3A_1191 = tpu.vector_load %arg9[%swap3A_1187, %swap3A_1188, %swap3A_1189, %swap3A_1190] {strides = array<i32>} : memref<1x20x3x16xf32, #tpu.memory_space<vmem>>, vector<1x1x1x16xf32>,
      %swap3A_1192 = vector.shape_cast %swap3A_1191 : vector<1x1x1x16xf32> to vector<16xf32>
      %swap3A_1193 = vector.shape_cast %select_n3A_1183 : vector<16xf32> to vector<1x1x1x16xf32>
      tpu.vector_store %arg9[%swap3A_1187, %swap3A_1188, %swap3A_1189, %swap3A_1190], %swap3A_1193 {add = true, strides = array<i32>} : memref<1x20x3x16xf32, #tpu.memory_space<vmem>>, vector<1x1x1x16xf32>,
      %gt3A_1194 = vector.broadcast %squeeze3A_637 : f32 to vector<16xf32>
      %gt3A_1195 = arith.cmpf ogt, %get3A_660, %gt3A_1194 : vector<16xf32>
      %le3A_1196 = vector.broadcast %squeeze3A_639 : f32 to vector<16xf32>
      %le3A_1197 = arith.cmpf ole, %get3A_660, %le3A_1196 : vector<16xf32>
      %and3A_1198 = arith.andi %gt3A_1195, %le3A_1197 : vector<16xi1>
      %select_n3A_1199 = arith.select %and3A_1198, %broadcast_in_dim3A_5, %broadcast_in_dim3A_3 : vector<16xi1>, vector<16xf32>
      %swap3A_1200 = arith.constant 0 : i32
      %swap3A_1201 = arith.constant 14 : i32
      %swap3A_1202 = arith.constant 0 : i32
      %swap3A_1203 = arith.index_cast %swap3A_1200 : i32 to index
      %swap3A_1204 = arith.index_cast %swap3A_1201 : i32 to index
      %swap3A_1205 = arith.index_cast %swap3A_1202 : i32 to index
      %swap3A_1206 = arith.constant 0 : index
      %swap3A_1207 = tpu.vector_load %arg9[%swap3A_1203, %swap3A_1204, %swap3A_1205, %swap3A_1206] {strides = array<i32>} : memref<1x20x3x16xf32, #tpu.memory_space<vmem>>, vector<1x1x1x16xf32>,
      %swap3A_1208 = vector.shape_cast %swap3A_1207 : vector<1x1x1x16xf32> to vector<16xf32>
      %swap3A_1209 = vector.shape_cast %select_n3A_1199 : vector<16xf32> to vector<1x1x1x16xf32>
      tpu.vector_store %arg9[%swap3A_1203, %swap3A_1204, %swap3A_1205, %swap3A_1206], %swap3A_1209 {add = true, strides = array<i32>} : memref<1x20x3x16xf32, #tpu.memory_space<vmem>>, vector<1x1x1x16xf32>,
      %select_n3A_1210 = arith.select %and3A_1198, %get3A_660, %broadcast_in_dim3A_3 : vector<16xi1>, vector<16xf32>
      %swap3A_1211 = arith.constant 0 : i32
      %swap3A_1212 = arith.constant 14 : i32
      %swap3A_1213 = arith.constant 1 : i32
      %swap3A_1214 = arith.index_cast %swap3A_1211 : i32 to index
      %swap3A_1215 = arith.index_cast %swap3A_1212 : i32 to index
      %swap3A_1216 = arith.index_cast %swap3A_1213 : i32 to index
      %swap3A_1217 = arith.constant 0 : index
      %swap3A_1218 = tpu.vector_load %arg9[%swap3A_1214, %swap3A_1215, %swap3A_1216, %swap3A_1217] {strides = array<i32>} : memref<1x20x3x16xf32, #tpu.memory_space<vmem>>, vector<1x1x1x16xf32>,
      %swap3A_1219 = vector.shape_cast %swap3A_1218 : vector<1x1x1x16xf32> to vector<16xf32>
      %swap3A_1220 = vector.shape_cast %select_n3A_1210 : vector<16xf32> to vector<1x1x1x16xf32>
      tpu.vector_store %arg9[%swap3A_1214, %swap3A_1215, %swap3A_1216, %swap3A_1217], %swap3A_1220 {add = true, strides = array<i32>} : memref<1x20x3x16xf32, #tpu.memory_space<vmem>>, vector<1x1x1x16xf32>,
      %select_n3A_1221 = arith.select %and3A_1198, %get3A_665, %broadcast_in_dim3A_3 : vector<16xi1>, vector<16xf32>
      %swap3A_1222 = arith.constant 0 : i32
      %swap3A_1223 = arith.constant 14 : i32
      %swap3A_1224 = arith.constant 2 : i32
      %swap3A_1225 = arith.index_cast %swap3A_1222 : i32 to index
      %swap3A_1226 = arith.index_cast %swap3A_1223 : i32 to index
      %swap3A_1227 = arith.index_cast %swap3A_1224 : i32 to index
      %swap3A_1228 = arith.constant 0 : index
      %swap3A_1229 = tpu.vector_load %arg9[%swap3A_1225, %swap3A_1226, %swap3A_1227, %swap3A_1228] {strides = array<i32>} : memref<1x20x3x16xf32, #tpu.memory_space<vmem>>, vector<1x1x1x16xf32>,
      %swap3A_1230 = vector.shape_cast %swap3A_1229 : vector<1x1x1x16xf32> to vector<16xf32>
      %swap3A_1231 = vector.shape_cast %select_n3A_1221 : vector<16xf32> to vector<1x1x1x16xf32>
      tpu.vector_store %arg9[%swap3A_1225, %swap3A_1226, %swap3A_1227, %swap3A_1228], %swap3A_1231 {add = true, strides = array<i32>} : memref<1x20x3x16xf32, #tpu.memory_space<vmem>>, vector<1x1x1x16xf32>,
      %gt3A_1232 = vector.broadcast %squeeze3A_639 : f32 to vector<16xf32>
      %gt3A_1233 = arith.cmpf ogt, %get3A_660, %gt3A_1232 : vector<16xf32>
      %le3A_1234 = vector.broadcast %squeeze3A_641 : f32 to vector<16xf32>
      %le3A_1235 = arith.cmpf ole, %get3A_660, %le3A_1234 : vector<16xf32>
      %and3A_1236 = arith.andi %gt3A_1233, %le3A_1235 : vector<16xi1>
      %select_n3A_1237 = arith.select %and3A_1236, %broadcast_in_dim3A_5, %broadcast_in_dim3A_3 : vector<16xi1>, vector<16xf32>
      %swap3A_1238 = arith.constant 0 : i32
      %swap3A_1239 = arith.constant 15 : i32
      %swap3A_1240 = arith.constant 0 : i32
      %swap3A_1241 = arith.index_cast %swap3A_1238 : i32 to index
      %swap3A_1242 = arith.index_cast %swap3A_1239 : i32 to index
      %swap3A_1243 = arith.index_cast %swap3A_1240 : i32 to index
      %swap3A_1244 = arith.constant 0 : index
      %swap3A_1245 = tpu.vector_load %arg9[%swap3A_1241, %swap3A_1242, %swap3A_1243, %swap3A_1244] {strides = array<i32>} : memref<1x20x3x16xf32, #tpu.memory_space<vmem>>, vector<1x1x1x16xf32>,
      %swap3A_1246 = vector.shape_cast %swap3A_1245 : vector<1x1x1x16xf32> to vector<16xf32>
      %swap3A_1247 = vector.shape_cast %select_n3A_1237 : vector<16xf32> to vector<1x1x1x16xf32>
      tpu.vector_store %arg9[%swap3A_1241, %swap3A_1242, %swap3A_1243, %swap3A_1244], %swap3A_1247 {add = true, strides = array<i32>} : memref<1x20x3x16xf32, #tpu.memory_space<vmem>>, vector<1x1x1x16xf32>,
      %select_n3A_1248 = arith.select %and3A_1236, %get3A_660, %broadcast_in_dim3A_3 : vector<16xi1>, vector<16xf32>
      %swap3A_1249 = arith.constant 0 : i32
      %swap3A_1250 = arith.constant 15 : i32
      %swap3A_1251 = arith.constant 1 : i32
      %swap3A_1252 = arith.index_cast %swap3A_1249 : i32 to index
      %swap3A_1253 = arith.index_cast %swap3A_1250 : i32 to index
      %swap3A_1254 = arith.index_cast %swap3A_1251 : i32 to index
      %swap3A_1255 = arith.constant 0 : index
      %swap3A_1256 = tpu.vector_load %arg9[%swap3A_1252, %swap3A_1253, %swap3A_1254, %swap3A_1255] {strides = array<i32>} : memref<1x20x3x16xf32, #tpu.memory_space<vmem>>, vector<1x1x1x16xf32>,
      %swap3A_1257 = vector.shape_cast %swap3A_1256 : vector<1x1x1x16xf32> to vector<16xf32>
      %swap3A_1258 = vector.shape_cast %select_n3A_1248 : vector<16xf32> to vector<1x1x1x16xf32>
      tpu.vector_store %arg9[%swap3A_1252, %swap3A_1253, %swap3A_1254, %swap3A_1255], %swap3A_1258 {add = true, strides = array<i32>} : memref<1x20x3x16xf32, #tpu.memory_space<vmem>>, vector<1x1x1x16xf32>,
      %select_n3A_1259 = arith.select %and3A_1236, %get3A_665, %broadcast_in_dim3A_3 : vector<16xi1>, vector<16xf32>
      %swap3A_1260 = arith.constant 0 : i32
      %swap3A_1261 = arith.constant 15 : i32
      %swap3A_1262 = arith.constant 2 : i32
      %swap3A_1263 = arith.index_cast %swap3A_1260 : i32 to index
      %swap3A_1264 = arith.index_cast %swap3A_1261 : i32 to index
      %swap3A_1265 = arith.index_cast %swap3A_1262 : i32 to index
      %swap3A_1266 = arith.constant 0 : index
      %swap3A_1267 = tpu.vector_load %arg9[%swap3A_1263, %swap3A_1264, %swap3A_1265, %swap3A_1266] {strides = array<i32>} : memref<1x20x3x16xf32, #tpu.memory_space<vmem>>, vector<1x1x1x16xf32>,
      %swap3A_1268 = vector.shape_cast %swap3A_1267 : vector<1x1x1x16xf32> to vector<16xf32>
      %swap3A_1269 = vector.shape_cast %select_n3A_1259 : vector<16xf32> to vector<1x1x1x16xf32>
      tpu.vector_store %arg9[%swap3A_1263, %swap3A_1264, %swap3A_1265, %swap3A_1266], %swap3A_1269 {add = true, strides = array<i32>} : memref<1x20x3x16xf32, #tpu.memory_space<vmem>>, vector<1x1x1x16xf32>,
      %gt3A_1270 = vector.broadcast %squeeze3A_641 : f32 to vector<16xf32>
      %gt3A_1271 = arith.cmpf ogt, %get3A_660, %gt3A_1270 : vector<16xf32>
      %le3A_1272 = vector.broadcast %squeeze3A_643 : f32 to vector<16xf32>
      %le3A_1273 = arith.cmpf ole, %get3A_660, %le3A_1272 : vector<16xf32>
      %and3A_1274 = arith.andi %gt3A_1271, %le3A_1273 : vector<16xi1>
      %select_n3A_1275 = arith.select %and3A_1274, %broadcast_in_dim3A_5, %broadcast_in_dim3A_3 : vector<16xi1>, vector<16xf32>
      %swap3A_1276 = arith.constant 0 : i32
      %swap3A_1277 = arith.constant 16 : i32
      %swap3A_1278 = arith.constant 0 : i32
      %swap3A_1279 = arith.index_cast %swap3A_1276 : i32 to index
      %swap3A_1280 = arith.index_cast %swap3A_1277 : i32 to index
      %swap3A_1281 = arith.index_cast %swap3A_1278 : i32 to index
      %swap3A_1282 = arith.constant 0 : index
      %swap3A_1283 = tpu.vector_load %arg9[%swap3A_1279, %swap3A_1280, %swap3A_1281, %swap3A_1282] {strides = array<i32>} : memref<1x20x3x16xf32, #tpu.memory_space<vmem>>, vector<1x1x1x16xf32>,
      %swap3A_1284 = vector.shape_cast %swap3A_1283 : vector<1x1x1x16xf32> to vector<16xf32>
      %swap3A_1285 = vector.shape_cast %select_n3A_1275 : vector<16xf32> to vector<1x1x1x16xf32>
      tpu.vector_store %arg9[%swap3A_1279, %swap3A_1280, %swap3A_1281, %swap3A_1282], %swap3A_1285 {add = true, strides = array<i32>} : memref<1x20x3x16xf32, #tpu.memory_space<vmem>>, vector<1x1x1x16xf32>,
      %select_n3A_1286 = arith.select %and3A_1274, %get3A_660, %broadcast_in_dim3A_3 : vector<16xi1>, vector<16xf32>
      %swap3A_1287 = arith.constant 0 : i32
      %swap3A_1288 = arith.constant 16 : i32
      %swap3A_1289 = arith.constant 1 : i32
      %swap3A_1290 = arith.index_cast %swap3A_1287 : i32 to index
      %swap3A_1291 = arith.index_cast %swap3A_1288 : i32 to index
      %swap3A_1292 = arith.index_cast %swap3A_1289 : i32 to index
      %swap3A_1293 = arith.constant 0 : index
      %swap3A_1294 = tpu.vector_load %arg9[%swap3A_1290, %swap3A_1291, %swap3A_1292, %swap3A_1293] {strides = array<i32>} : memref<1x20x3x16xf32, #tpu.memory_space<vmem>>, vector<1x1x1x16xf32>,
      %swap3A_1295 = vector.shape_cast %swap3A_1294 : vector<1x1x1x16xf32> to vector<16xf32>
      %swap3A_1296 = vector.shape_cast %select_n3A_1286 : vector<16xf32> to vector<1x1x1x16xf32>
      tpu.vector_store %arg9[%swap3A_1290, %swap3A_1291, %swap3A_1292, %swap3A_1293], %swap3A_1296 {add = true, strides = array<i32>} : memref<1x20x3x16xf32, #tpu.memory_space<vmem>>, vector<1x1x1x16xf32>,
      %select_n3A_1297 = arith.select %and3A_1274, %get3A_665, %broadcast_in_dim3A_3 : vector<16xi1>, vector<16xf32>
      %swap3A_1298 = arith.constant 0 : i32
      %swap3A_1299 = arith.constant 16 : i32
      %swap3A_1300 = arith.constant 2 : i32
      %swap3A_1301 = arith.index_cast %swap3A_1298 : i32 to index
      %swap3A_1302 = arith.index_cast %swap3A_1299 : i32 to index
      %swap3A_1303 = arith.index_cast %swap3A_1300 : i32 to index
      %swap3A_1304 = arith.constant 0 : index
      %swap3A_1305 = tpu.vector_load %arg9[%swap3A_1301, %swap3A_1302, %swap3A_1303, %swap3A_1304] {strides = array<i32>} : memref<1x20x3x16xf32, #tpu.memory_space<vmem>>, vector<1x1x1x16xf32>,
      %swap3A_1306 = vector.shape_cast %swap3A_1305 : vector<1x1x1x16xf32> to vector<16xf32>
      %swap3A_1307 = vector.shape_cast %select_n3A_1297 : vector<16xf32> to vector<1x1x1x16xf32>
      tpu.vector_store %arg9[%swap3A_1301, %swap3A_1302, %swap3A_1303, %swap3A_1304], %swap3A_1307 {add = true, strides = array<i32>} : memref<1x20x3x16xf32, #tpu.memory_space<vmem>>, vector<1x1x1x16xf32>,
      %gt3A_1308 = vector.broadcast %squeeze3A_643 : f32 to vector<16xf32>
      %gt3A_1309 = arith.cmpf ogt, %get3A_660, %gt3A_1308 : vector<16xf32>
      %le3A_1310 = vector.broadcast %squeeze3A_645 : f32 to vector<16xf32>
      %le3A_1311 = arith.cmpf ole, %get3A_660, %le3A_1310 : vector<16xf32>
      %and3A_1312 = arith.andi %gt3A_1309, %le3A_1311 : vector<16xi1>
      %select_n3A_1313 = arith.select %and3A_1312, %broadcast_in_dim3A_5, %broadcast_in_dim3A_3 : vector<16xi1>, vector<16xf32>
      %swap3A_1314 = arith.constant 0 : i32
      %swap3A_1315 = arith.constant 17 : i32
      %swap3A_1316 = arith.constant 0 : i32
      %swap3A_1317 = arith.index_cast %swap3A_1314 : i32 to index
      %swap3A_1318 = arith.index_cast %swap3A_1315 : i32 to index
      %swap3A_1319 = arith.index_cast %swap3A_1316 : i32 to index
      %swap3A_1320 = arith.constant 0 : index
      %swap3A_1321 = tpu.vector_load %arg9[%swap3A_1317, %swap3A_1318, %swap3A_1319, %swap3A_1320] {strides = array<i32>} : memref<1x20x3x16xf32, #tpu.memory_space<vmem>>, vector<1x1x1x16xf32>,
      %swap3A_1322 = vector.shape_cast %swap3A_1321 : vector<1x1x1x16xf32> to vector<16xf32>
      %swap3A_1323 = vector.shape_cast %select_n3A_1313 : vector<16xf32> to vector<1x1x1x16xf32>
      tpu.vector_store %arg9[%swap3A_1317, %swap3A_1318, %swap3A_1319, %swap3A_1320], %swap3A_1323 {add = true, strides = array<i32>} : memref<1x20x3x16xf32, #tpu.memory_space<vmem>>, vector<1x1x1x16xf32>,
      %select_n3A_1324 = arith.select %and3A_1312, %get3A_660, %broadcast_in_dim3A_3 : vector<16xi1>, vector<16xf32>
      %swap3A_1325 = arith.constant 0 : i32
      %swap3A_1326 = arith.constant 17 : i32
      %swap3A_1327 = arith.constant 1 : i32
      %swap3A_1328 = arith.index_cast %swap3A_1325 : i32 to index
      %swap3A_1329 = arith.index_cast %swap3A_1326 : i32 to index
      %swap3A_1330 = arith.index_cast %swap3A_1327 : i32 to index
      %swap3A_1331 = arith.constant 0 : index
      %swap3A_1332 = tpu.vector_load %arg9[%swap3A_1328, %swap3A_1329, %swap3A_1330, %swap3A_1331] {strides = array<i32>} : memref<1x20x3x16xf32, #tpu.memory_space<vmem>>, vector<1x1x1x16xf32>,
      %swap3A_1333 = vector.shape_cast %swap3A_1332 : vector<1x1x1x16xf32> to vector<16xf32>
      %swap3A_1334 = vector.shape_cast %select_n3A_1324 : vector<16xf32> to vector<1x1x1x16xf32>
      tpu.vector_store %arg9[%swap3A_1328, %swap3A_1329, %swap3A_1330, %swap3A_1331], %swap3A_1334 {add = true, strides = array<i32>} : memref<1x20x3x16xf32, #tpu.memory_space<vmem>>, vector<1x1x1x16xf32>,
      %select_n3A_1335 = arith.select %and3A_1312, %get3A_665, %broadcast_in_dim3A_3 : vector<16xi1>, vector<16xf32>
      %swap3A_1336 = arith.constant 0 : i32
      %swap3A_1337 = arith.constant 17 : i32
      %swap3A_1338 = arith.constant 2 : i32
      %swap3A_1339 = arith.index_cast %swap3A_1336 : i32 to index
      %swap3A_1340 = arith.index_cast %swap3A_1337 : i32 to index
      %swap3A_1341 = arith.index_cast %swap3A_1338 : i32 to index
      %swap3A_1342 = arith.constant 0 : index
      %swap3A_1343 = tpu.vector_load %arg9[%swap3A_1339, %swap3A_1340, %swap3A_1341, %swap3A_1342] {strides = array<i32>} : memref<1x20x3x16xf32, #tpu.memory_space<vmem>>, vector<1x1x1x16xf32>,
      %swap3A_1344 = vector.shape_cast %swap3A_1343 : vector<1x1x1x16xf32> to vector<16xf32>
      %swap3A_1345 = vector.shape_cast %select_n3A_1335 : vector<16xf32> to vector<1x1x1x16xf32>
      tpu.vector_store %arg9[%swap3A_1339, %swap3A_1340, %swap3A_1341, %swap3A_1342], %swap3A_1345 {add = true, strides = array<i32>} : memref<1x20x3x16xf32, #tpu.memory_space<vmem>>, vector<1x1x1x16xf32>,
      %gt3A_1346 = vector.broadcast %squeeze3A_645 : f32 to vector<16xf32>
      %gt3A_1347 = arith.cmpf ogt, %get3A_660, %gt3A_1346 : vector<16xf32>
      %le3A_1348 = vector.broadcast %squeeze3A_647 : f32 to vector<16xf32>
      %le3A_1349 = arith.cmpf ole, %get3A_660, %le3A_1348 : vector<16xf32>
      %and3A_1350 = arith.andi %gt3A_1347, %le3A_1349 : vector<16xi1>
      %select_n3A_1351 = arith.select %and3A_1350, %broadcast_in_dim3A_5, %broadcast_in_dim3A_3 : vector<16xi1>, vector<16xf32>
      %swap3A_1352 = arith.constant 0 : i32
      %swap3A_1353 = arith.constant 18 : i32
      %swap3A_1354 = arith.constant 0 : i32
      %swap3A_1355 = arith.index_cast %swap3A_1352 : i32 to index
      %swap3A_1356 = arith.index_cast %swap3A_1353 : i32 to index
      %swap3A_1357 = arith.index_cast %swap3A_1354 : i32 to index
      %swap3A_1358 = arith.constant 0 : index
      %swap3A_1359 = tpu.vector_load %arg9[%swap3A_1355, %swap3A_1356, %swap3A_1357, %swap3A_1358] {strides = array<i32>} : memref<1x20x3x16xf32, #tpu.memory_space<vmem>>, vector<1x1x1x16xf32>,
      %swap3A_1360 = vector.shape_cast %swap3A_1359 : vector<1x1x1x16xf32> to vector<16xf32>
      %swap3A_1361 = vector.shape_cast %select_n3A_1351 : vector<16xf32> to vector<1x1x1x16xf32>
      tpu.vector_store %arg9[%swap3A_1355, %swap3A_1356, %swap3A_1357, %swap3A_1358], %swap3A_1361 {add = true, strides = array<i32>} : memref<1x20x3x16xf32, #tpu.memory_space<vmem>>, vector<1x1x1x16xf32>,
      %select_n3A_1362 = arith.select %and3A_1350, %get3A_660, %broadcast_in_dim3A_3 : vector<16xi1>, vector<16xf32>
      %swap3A_1363 = arith.constant 0 : i32
      %swap3A_1364 = arith.constant 18 : i32
      %swap3A_1365 = arith.constant 1 : i32
      %swap3A_1366 = arith.index_cast %swap3A_1363 : i32 to index
      %swap3A_1367 = arith.index_cast %swap3A_1364 : i32 to index
      %swap3A_1368 = arith.index_cast %swap3A_1365 : i32 to index
      %swap3A_1369 = arith.constant 0 : index
      %swap3A_1370 = tpu.vector_load %arg9[%swap3A_1366, %swap3A_1367, %swap3A_1368, %swap3A_1369] {strides = array<i32>} : memref<1x20x3x16xf32, #tpu.memory_space<vmem>>, vector<1x1x1x16xf32>,
      %swap3A_1371 = vector.shape_cast %swap3A_1370 : vector<1x1x1x16xf32> to vector<16xf32>
      %swap3A_1372 = vector.shape_cast %select_n3A_1362 : vector<16xf32> to vector<1x1x1x16xf32>
      tpu.vector_store %arg9[%swap3A_1366, %swap3A_1367, %swap3A_1368, %swap3A_1369], %swap3A_1372 {add = true, strides = array<i32>} : memref<1x20x3x16xf32, #tpu.memory_space<vmem>>, vector<1x1x1x16xf32>,
      %select_n3A_1373 = arith.select %and3A_1350, %get3A_665, %broadcast_in_dim3A_3 : vector<16xi1>, vector<16xf32>
      %swap3A_1374 = arith.constant 0 : i32
      %swap3A_1375 = arith.constant 18 : i32
      %swap3A_1376 = arith.constant 2 : i32
      %swap3A_1377 = arith.index_cast %swap3A_1374 : i32 to index
      %swap3A_1378 = arith.index_cast %swap3A_1375 : i32 to index
      %swap3A_1379 = arith.index_cast %swap3A_1376 : i32 to index
      %swap3A_1380 = arith.constant 0 : index
      %swap3A_1381 = tpu.vector_load %arg9[%swap3A_1377, %swap3A_1378, %swap3A_1379, %swap3A_1380] {strides = array<i32>} : memref<1x20x3x16xf32, #tpu.memory_space<vmem>>, vector<1x1x1x16xf32>,
      %swap3A_1382 = vector.shape_cast %swap3A_1381 : vector<1x1x1x16xf32> to vector<16xf32>
      %swap3A_1383 = vector.shape_cast %select_n3A_1373 : vector<16xf32> to vector<1x1x1x16xf32>
      tpu.vector_store %arg9[%swap3A_1377, %swap3A_1378, %swap3A_1379, %swap3A_1380], %swap3A_1383 {add = true, strides = array<i32>} : memref<1x20x3x16xf32, #tpu.memory_space<vmem>>, vector<1x1x1x16xf32>,
      %gt3A_1384 = vector.broadcast %squeeze3A_647 : f32 to vector<16xf32>
      %gt3A_1385 = arith.cmpf ogt, %get3A_660, %gt3A_1384 : vector<16xf32>
      %le3A_1386 = vector.broadcast %squeeze3A_649 : f32 to vector<16xf32>
      %le3A_1387 = arith.cmpf ole, %get3A_660, %le3A_1386 : vector<16xf32>
      %and3A_1388 = arith.andi %gt3A_1385, %le3A_1387 : vector<16xi1>
      %select_n3A_1389 = arith.select %and3A_1388, %broadcast_in_dim3A_5, %broadcast_in_dim3A_3 : vector<16xi1>, vector<16xf32>
      %swap3A_1390 = arith.constant 0 : i32
      %swap3A_1391 = arith.constant 19 : i32
      %swap3A_1392 = arith.constant 0 : i32
      %swap3A_1393 = arith.index_cast %swap3A_1390 : i32 to index
      %swap3A_1394 = arith.index_cast %swap3A_1391 : i32 to index
      %swap3A_1395 = arith.index_cast %swap3A_1392 : i32 to index
      %swap3A_1396 = arith.constant 0 : index
      %swap3A_1397 = tpu.vector_load %arg9[%swap3A_1393, %swap3A_1394, %swap3A_1395, %swap3A_1396] {strides = array<i32>} : memref<1x20x3x16xf32, #tpu.memory_space<vmem>>, vector<1x1x1x16xf32>,
      %swap3A_1398 = vector.shape_cast %swap3A_1397 : vector<1x1x1x16xf32> to vector<16xf32>
      %swap3A_1399 = vector.shape_cast %select_n3A_1389 : vector<16xf32> to vector<1x1x1x16xf32>
      tpu.vector_store %arg9[%swap3A_1393, %swap3A_1394, %swap3A_1395, %swap3A_1396], %swap3A_1399 {add = true, strides = array<i32>} : memref<1x20x3x16xf32, #tpu.memory_space<vmem>>, vector<1x1x1x16xf32>,
      %select_n3A_1400 = arith.select %and3A_1388, %get3A_660, %broadcast_in_dim3A_3 : vector<16xi1>, vector<16xf32>
      %swap3A_1401 = arith.constant 0 : i32
      %swap3A_1402 = arith.constant 19 : i32
      %swap3A_1403 = arith.constant 1 : i32
      %swap3A_1404 = arith.index_cast %swap3A_1401 : i32 to index
      %swap3A_1405 = arith.index_cast %swap3A_1402 : i32 to index
      %swap3A_1406 = arith.index_cast %swap3A_1403 : i32 to index
      %swap3A_1407 = arith.constant 0 : index
      %swap3A_1408 = tpu.vector_load %arg9[%swap3A_1404, %swap3A_1405, %swap3A_1406, %swap3A_1407] {strides = array<i32>} : memref<1x20x3x16xf32, #tpu.memory_space<vmem>>, vector<1x1x1x16xf32>,
      %swap3A_1409 = vector.shape_cast %swap3A_1408 : vector<1x1x1x16xf32> to vector<16xf32>
      %swap3A_1410 = vector.shape_cast %select_n3A_1400 : vector<16xf32> to vector<1x1x1x16xf32>
      tpu.vector_store %arg9[%swap3A_1404, %swap3A_1405, %swap3A_1406, %swap3A_1407], %swap3A_1410 {add = true, strides = array<i32>} : memref<1x20x3x16xf32, #tpu.memory_space<vmem>>, vector<1x1x1x16xf32>,
      %select_n3A_1411 = arith.select %and3A_1388, %get3A_665, %broadcast_in_dim3A_3 : vector<16xi1>, vector<16xf32>
      %swap3A_1412 = arith.constant 0 : i32
      %swap3A_1413 = arith.constant 19 : i32
      %swap3A_1414 = arith.constant 2 : i32
      %swap3A_1415 = arith.index_cast %swap3A_1412 : i32 to index
      %swap3A_1416 = arith.index_cast %swap3A_1413 : i32 to index
      %swap3A_1417 = arith.index_cast %swap3A_1414 : i32 to index
      %swap3A_1418 = arith.constant 0 : index
      %swap3A_1419 = tpu.vector_load %arg9[%swap3A_1415, %swap3A_1416, %swap3A_1417, %swap3A_1418] {strides = array<i32>} : memref<1x20x3x16xf32, #tpu.memory_space<vmem>>, vector<1x1x1x16xf32>,
      %swap3A_1420 = vector.shape_cast %swap3A_1419 : vector<1x1x1x16xf32> to vector<16xf32>
      %swap3A_1421 = vector.shape_cast %select_n3A_1411 : vector<16xf32> to vector<1x1x1x16xf32>
      tpu.vector_store %arg9[%swap3A_1415, %swap3A_1416, %swap3A_1417, %swap3A_1418], %swap3A_1421 {add = true, strides = array<i32>} : memref<1x20x3x16xf32, #tpu.memory_space<vmem>>, vector<1x1x1x16xf32>,
    }
    %scan3A_654 = arith.constant 128 : i32
    "tpu.region"() ({
      %run_scoped3A = tpu.sem_alloc : memref<!tpu.dma_semaphore, #tpu.memory_space<semaphore_mem>>
      %dma_start3A = arith.constant 0 : i32
      %dma_start3A_655 = arith.constant 0 : i32
      %dma_start3A_656 = arith.constant 0 : i32
      %dma_start3A_657 = tpu.memref_slice %arg5[%add3A, %dma_start3A, %dma_start3A_655, %dma_start3A_656] : memref<32x20x3x16xf32, #tpu.memory_space<hbm>> -> memref<1x20x3x16xf32, #tpu.memory_space<hbm>>
      %dma_start3A_658 = arith.constant 0 : i32
      %dma_start3A_659 = arith.constant 0 : i32
      %dma_start3A_660 = arith.constant 0 : i32
      %dma_start3A_661 = tpu.memref_slice %arg5[%add3A, %dma_start3A_658, %dma_start3A_659, %dma_start3A_660] : memref<32x20x3x16xf32, #tpu.memory_space<hbm>> -> memref<1x20x3x16xf32, #tpu.memory_space<hbm>>
      tpu.enqueue_dma source(%arg9 : memref<1x20x3x16xf32, #tpu.memory_space<vmem>>) target(%dma_start3A_661 : memref<1x20x3x16xf32, #tpu.memory_space<hbm>>) target_semaphore(%run_scoped3A : memref<!tpu.dma_semaphore, #tpu.memory_space<semaphore_mem>>)
      %dma_wait3A = arith.constant 0 : i32
      %dma_wait3A_662 = arith.constant 0 : i32
      %dma_wait3A_663 = arith.constant 0 : i32
      %dma_wait3A_664 = tpu.memref_slice %arg5[%add3A, %dma_wait3A, %dma_wait3A_662, %dma_wait3A_663] : memref<32x20x3x16xf32, #tpu.memory_space<hbm>> -> memref<1x20x3x16xf32, #tpu.memory_space<hbm>>
      %dma_wait3A_665 = arith.constant 0 : i32
      %dma_wait3A_666 = arith.constant 0 : i32
      %dma_wait3A_667 = arith.constant 0 : i32
      %dma_wait3A_668 = tpu.memref_slice %arg5[%add3A, %dma_wait3A_665, %dma_wait3A_666, %dma_wait3A_667] : memref<32x20x3x16xf32, #tpu.memory_space<hbm>> -> memref<1x20x3x16xf32, #tpu.memory_space<hbm>>
      tpu.wait_dma2 semaphore(%run_scoped3A : memref<!tpu.dma_semaphore, #tpu.memory_space<semaphore_mem>>) src(%arg9 : memref<1x20x3x16xf32, #tpu.memory_space<vmem>>) dst(%dma_wait3A_668 : memref<1x20x3x16xf32, #tpu.memory_space<hbm>>)
      tpu.yield
    }) : () -> ()
    return
  }
}

module attributes {stable_mosaic.version = 14 : i64} {
  func.func @_tc_body(%arg0: i32, %arg1: memref<65536x1000xf32, #tpu.memory_space<any>>, %arg2: memref<512xi32, #tpu.memory_space<vmem>>, %arg3: memref<512xf32, #tpu.memory_space<vmem>>, %arg4: memref<512xf32, #tpu.memory_space<vmem>>, %arg5: memref<6x512x1000xf32, #tpu.memory_space<vmem>>, %arg6: memref<6x!tpu.dma_semaphore, #tpu.memory_space<semaphore_mem>>) attributes {dimension_semantics = [#tpu.dimension_semantics<arbitrary>], iteration_bounds = array<i64: 128>, scalar_prefetch = 0 : i64, scratch_operands = 2 : i64, tpu.core_type = #tpu.core_type<tc>, window_params = [{}, {transform_indices = @transform_1, window_bounds = array<i64: 512>}, {transform_indices = @transform_2, window_bounds = array<i64: 512>}, {transform_indices = @transform_3, window_bounds = array<i64: 512>}]} {
    %eq3A = arith.constant 0 : i32
    %eq3A_0 = arith.cmpi eq, %arg0, %eq3A : i32
    %convert_element_type3A = arith.extui %eq3A_0 : i1 to i32
    %cond3A = arith.constant 0 : i32
    %cond3A_1 = arith.cmpi ne, %convert_element_type3A, %cond3A : i32
    scf.if %cond3A_1 {
      %dma_start3A = arith.constant 0 : i32
      %dma_start3A_46 = arith.constant 0 : i32
      %dma_start3A_47 = tpu.memref_slice %arg6[%dma_start3A_46] : memref<6x!tpu.dma_semaphore, #tpu.memory_space<semaphore_mem>> -> memref<1x!tpu.dma_semaphore, #tpu.memory_space<semaphore_mem>>
      %dma_start3A_48 = tpu.memref_squeeze %dma_start3A_47 : memref<1x!tpu.dma_semaphore, #tpu.memory_space<semaphore_mem>> -> memref<!tpu.dma_semaphore, #tpu.memory_space<semaphore_mem>>
      %dma_start3A_49 = arith.constant 0 : i32
      %dma_start3A_50 = arith.constant 0 : i32
      %dma_start3A_51 = tpu.memref_slice %arg5[%dma_start3A, %dma_start3A_49, %dma_start3A_50] : memref<6x512x1000xf32, #tpu.memory_space<vmem>> -> memref<1x512x1000xf32, #tpu.memory_space<vmem>>
      %dma_start3A_52 = tpu.memref_squeeze %dma_start3A_51 : memref<1x512x1000xf32, #tpu.memory_space<vmem>> -> memref<512x1000xf32, #tpu.memory_space<vmem>>
      %dma_start3A_53 = arith.constant 0 : i32
      %dma_start3A_54 = arith.constant 0 : i32
      %dma_start3A_55 = tpu.memref_slice %arg1[%dma_start3A_53, %dma_start3A_54] : memref<65536x1000xf32, #tpu.memory_space<any>> -> memref<512x1000xf32, #tpu.memory_space<any>>
      tpu.enqueue_dma source(%dma_start3A_55 : memref<512x1000xf32, #tpu.memory_space<any>>) target(%dma_start3A_52 : memref<512x1000xf32, #tpu.memory_space<vmem>>) target_semaphore(%dma_start3A_48 : memref<!tpu.dma_semaphore, #tpu.memory_space<semaphore_mem>>)
      %dma_start3A_56 = arith.constant 1 : i32
      %dma_start3A_57 = arith.constant 1 : i32
      %dma_start3A_58 = tpu.memref_slice %arg6[%dma_start3A_57] : memref<6x!tpu.dma_semaphore, #tpu.memory_space<semaphore_mem>> -> memref<1x!tpu.dma_semaphore, #tpu.memory_space<semaphore_mem>>
      %dma_start3A_59 = tpu.memref_squeeze %dma_start3A_58 : memref<1x!tpu.dma_semaphore, #tpu.memory_space<semaphore_mem>> -> memref<!tpu.dma_semaphore, #tpu.memory_space<semaphore_mem>>
      %dma_start3A_60 = arith.constant 0 : i32
      %dma_start3A_61 = arith.constant 0 : i32
      %dma_start3A_62 = tpu.memref_slice %arg5[%dma_start3A_56, %dma_start3A_60, %dma_start3A_61] : memref<6x512x1000xf32, #tpu.memory_space<vmem>> -> memref<1x512x1000xf32, #tpu.memory_space<vmem>>
      %dma_start3A_63 = tpu.memref_squeeze %dma_start3A_62 : memref<1x512x1000xf32, #tpu.memory_space<vmem>> -> memref<512x1000xf32, #tpu.memory_space<vmem>>
      %dma_start3A_64 = arith.constant 512 : i32
      %dma_start3A_65 = arith.constant 0 : i32
      %dma_start3A_66 = tpu.memref_slice %arg1[%dma_start3A_64, %dma_start3A_65] : memref<65536x1000xf32, #tpu.memory_space<any>> -> memref<512x1000xf32, #tpu.memory_space<any>>
      tpu.enqueue_dma source(%dma_start3A_66 : memref<512x1000xf32, #tpu.memory_space<any>>) target(%dma_start3A_63 : memref<512x1000xf32, #tpu.memory_space<vmem>>) target_semaphore(%dma_start3A_59 : memref<!tpu.dma_semaphore, #tpu.memory_space<semaphore_mem>>)
      %dma_start3A_67 = arith.constant 2 : i32
      %dma_start3A_68 = arith.constant 2 : i32
      %dma_start3A_69 = tpu.memref_slice %arg6[%dma_start3A_68] : memref<6x!tpu.dma_semaphore, #tpu.memory_space<semaphore_mem>> -> memref<1x!tpu.dma_semaphore, #tpu.memory_space<semaphore_mem>>
      %dma_start3A_70 = tpu.memref_squeeze %dma_start3A_69 : memref<1x!tpu.dma_semaphore, #tpu.memory_space<semaphore_mem>> -> memref<!tpu.dma_semaphore, #tpu.memory_space<semaphore_mem>>
      %dma_start3A_71 = arith.constant 0 : i32
      %dma_start3A_72 = arith.constant 0 : i32
      %dma_start3A_73 = tpu.memref_slice %arg5[%dma_start3A_67, %dma_start3A_71, %dma_start3A_72] : memref<6x512x1000xf32, #tpu.memory_space<vmem>> -> memref<1x512x1000xf32, #tpu.memory_space<vmem>>
      %dma_start3A_74 = tpu.memref_squeeze %dma_start3A_73 : memref<1x512x1000xf32, #tpu.memory_space<vmem>> -> memref<512x1000xf32, #tpu.memory_space<vmem>>
      %dma_start3A_75 = arith.constant 1024 : i32
      %dma_start3A_76 = arith.constant 0 : i32
      %dma_start3A_77 = tpu.memref_slice %arg1[%dma_start3A_75, %dma_start3A_76] : memref<65536x1000xf32, #tpu.memory_space<any>> -> memref<512x1000xf32, #tpu.memory_space<any>>
      tpu.enqueue_dma source(%dma_start3A_77 : memref<512x1000xf32, #tpu.memory_space<any>>) target(%dma_start3A_74 : memref<512x1000xf32, #tpu.memory_space<vmem>>) target_semaphore(%dma_start3A_70 : memref<!tpu.dma_semaphore, #tpu.memory_space<semaphore_mem>>)
      %dma_start3A_78 = arith.constant 3 : i32
      %dma_start3A_79 = arith.constant 3 : i32
      %dma_start3A_80 = tpu.memref_slice %arg6[%dma_start3A_79] : memref<6x!tpu.dma_semaphore, #tpu.memory_space<semaphore_mem>> -> memref<1x!tpu.dma_semaphore, #tpu.memory_space<semaphore_mem>>
      %dma_start3A_81 = tpu.memref_squeeze %dma_start3A_80 : memref<1x!tpu.dma_semaphore, #tpu.memory_space<semaphore_mem>> -> memref<!tpu.dma_semaphore, #tpu.memory_space<semaphore_mem>>
      %dma_start3A_82 = arith.constant 0 : i32
      %dma_start3A_83 = arith.constant 0 : i32
      %dma_start3A_84 = tpu.memref_slice %arg5[%dma_start3A_78, %dma_start3A_82, %dma_start3A_83] : memref<6x512x1000xf32, #tpu.memory_space<vmem>> -> memref<1x512x1000xf32, #tpu.memory_space<vmem>>
      %dma_start3A_85 = tpu.memref_squeeze %dma_start3A_84 : memref<1x512x1000xf32, #tpu.memory_space<vmem>> -> memref<512x1000xf32, #tpu.memory_space<vmem>>
      %dma_start3A_86 = arith.constant 1536 : i32
      %dma_start3A_87 = arith.constant 0 : i32
      %dma_start3A_88 = tpu.memref_slice %arg1[%dma_start3A_86, %dma_start3A_87] : memref<65536x1000xf32, #tpu.memory_space<any>> -> memref<512x1000xf32, #tpu.memory_space<any>>
      tpu.enqueue_dma source(%dma_start3A_88 : memref<512x1000xf32, #tpu.memory_space<any>>) target(%dma_start3A_85 : memref<512x1000xf32, #tpu.memory_space<vmem>>) target_semaphore(%dma_start3A_81 : memref<!tpu.dma_semaphore, #tpu.memory_space<semaphore_mem>>)
      %dma_start3A_89 = arith.constant 4 : i32
      %dma_start3A_90 = arith.constant 4 : i32
      %dma_start3A_91 = tpu.memref_slice %arg6[%dma_start3A_90] : memref<6x!tpu.dma_semaphore, #tpu.memory_space<semaphore_mem>> -> memref<1x!tpu.dma_semaphore, #tpu.memory_space<semaphore_mem>>
      %dma_start3A_92 = tpu.memref_squeeze %dma_start3A_91 : memref<1x!tpu.dma_semaphore, #tpu.memory_space<semaphore_mem>> -> memref<!tpu.dma_semaphore, #tpu.memory_space<semaphore_mem>>
      %dma_start3A_93 = arith.constant 0 : i32
      %dma_start3A_94 = arith.constant 0 : i32
      %dma_start3A_95 = tpu.memref_slice %arg5[%dma_start3A_89, %dma_start3A_93, %dma_start3A_94] : memref<6x512x1000xf32, #tpu.memory_space<vmem>> -> memref<1x512x1000xf32, #tpu.memory_space<vmem>>
      %dma_start3A_96 = tpu.memref_squeeze %dma_start3A_95 : memref<1x512x1000xf32, #tpu.memory_space<vmem>> -> memref<512x1000xf32, #tpu.memory_space<vmem>>
      %dma_start3A_97 = arith.constant 2048 : i32
      %dma_start3A_98 = arith.constant 0 : i32
      %dma_start3A_99 = tpu.memref_slice %arg1[%dma_start3A_97, %dma_start3A_98] : memref<65536x1000xf32, #tpu.memory_space<any>> -> memref<512x1000xf32, #tpu.memory_space<any>>
      tpu.enqueue_dma source(%dma_start3A_99 : memref<512x1000xf32, #tpu.memory_space<any>>) target(%dma_start3A_96 : memref<512x1000xf32, #tpu.memory_space<vmem>>) target_semaphore(%dma_start3A_92 : memref<!tpu.dma_semaphore, #tpu.memory_space<semaphore_mem>>)
    } else {
    }
    %add3A = arith.constant 6 : i32
    %add3A_2 = arith.addi %arg0, %add3A : i32
    %sub3A = arith.constant 1 : i32
    %sub3A_3 = arith.subi %add3A_2, %sub3A : i32
    %lt3A = arith.constant 128 : i32
    %lt3A_4 = arith.cmpi slt, %sub3A_3, %lt3A : i32
    %convert_element_type3A_5 = arith.extui %lt3A_4 : i1 to i32
    %cond3A_6 = arith.constant 0 : i32
    %cond3A_7 = arith.cmpi ne, %convert_element_type3A_5, %cond3A_6 : i32
    scf.if %cond3A_7 {
      %jit3A_46 = arith.constant 6 : i32
      %eq3A_47 = arith.constant 0 : i32
      %eq3A_48 = arith.cmpi eq, %jit3A_46, %eq3A_47 : i32
      %jit3A_49 = arith.constant 1 : i32
      %select_n3A_50 = arith.select %eq3A_48, %jit3A_49, %jit3A_46 : i32
      %rem3A_51 = arith.remsi %sub3A_3, %select_n3A_50 : i32
      %ne3A_52 = arith.constant 0 : i32
      %ne3A_53 = arith.cmpi ne, %rem3A_51, %ne3A_52 : i32
      %lt3A_54 = arith.constant 0 : i32
      %lt3A_55 = arith.cmpi slt, %rem3A_51, %lt3A_54 : i32
      %lt3A_56 = arith.constant 0 : i32
      %lt3A_57 = arith.cmpi slt, %select_n3A_50, %lt3A_56 : i32
      %ne3A_58 = arith.xori %lt3A_55, %lt3A_57 : i1
      %and3A_59 = arith.andi %ne3A_58, %ne3A_53 : i1
      %add3A_60 = arith.addi %rem3A_51, %select_n3A_50 : i32
      %select_n3A_61 = arith.select %and3A_59, %add3A_60, %rem3A_51 : i32
      %mul3A_62 = arith.constant 512 : i32
      %mul3A_63 = arith.muli %sub3A_3, %mul3A_62 : i32
      %dma_start3A = tpu.memref_slice %arg6[%select_n3A_61] : memref<6x!tpu.dma_semaphore, #tpu.memory_space<semaphore_mem>> -> memref<1x!tpu.dma_semaphore, #tpu.memory_space<semaphore_mem>>
      %dma_start3A_64 = tpu.memref_squeeze %dma_start3A : memref<1x!tpu.dma_semaphore, #tpu.memory_space<semaphore_mem>> -> memref<!tpu.dma_semaphore, #tpu.memory_space<semaphore_mem>>
      %dma_start3A_65 = arith.constant 0 : i32
      %dma_start3A_66 = arith.constant 0 : i32
      %dma_start3A_67 = tpu.memref_slice %arg5[%select_n3A_61, %dma_start3A_65, %dma_start3A_66] : memref<6x512x1000xf32, #tpu.memory_space<vmem>> -> memref<1x512x1000xf32, #tpu.memory_space<vmem>>
      %dma_start3A_68 = tpu.memref_squeeze %dma_start3A_67 : memref<1x512x1000xf32, #tpu.memory_space<vmem>> -> memref<512x1000xf32, #tpu.memory_space<vmem>>
      %dma_start3A_69 = arith.constant 0 : i32
      %dma_start3A_70 = tpu.memref_slice %arg1[%mul3A_63, %dma_start3A_69] : memref<65536x1000xf32, #tpu.memory_space<any>> -> memref<512x1000xf32, #tpu.memory_space<any>>
      tpu.enqueue_dma source(%dma_start3A_70 : memref<512x1000xf32, #tpu.memory_space<any>>) target(%dma_start3A_68 : memref<512x1000xf32, #tpu.memory_space<vmem>>) target_semaphore(%dma_start3A_64 : memref<!tpu.dma_semaphore, #tpu.memory_space<semaphore_mem>>)
    } else {
    }
    %jit3A = arith.constant 6 : i32
    %eq3A_8 = arith.constant 0 : i32
    %eq3A_9 = arith.cmpi eq, %jit3A, %eq3A_8 : i32
    %jit3A_10 = arith.constant 1 : i32
    %select_n3A = arith.select %eq3A_9, %jit3A_10, %jit3A : i32
    %rem3A = arith.remsi %arg0, %select_n3A : i32
    %ne3A = arith.constant 0 : i32
    %ne3A_11 = arith.cmpi ne, %rem3A, %ne3A : i32
    %lt3A_12 = arith.constant 0 : i32
    %lt3A_13 = arith.cmpi slt, %rem3A, %lt3A_12 : i32
    %lt3A_14 = arith.constant 0 : i32
    %lt3A_15 = arith.cmpi slt, %select_n3A, %lt3A_14 : i32
    %ne3A_16 = arith.xori %lt3A_13, %lt3A_15 : i1
    %and3A = arith.andi %ne3A_16, %ne3A_11 : i1
    %add3A_17 = arith.addi %rem3A, %select_n3A : i32
    %select_n3A_18 = arith.select %and3A, %add3A_17, %rem3A : i32
    %mul3A = arith.constant 512 : i32
    %mul3A_19 = arith.muli %arg0, %mul3A : i32
    %dma_wait3A = tpu.memref_slice %arg6[%select_n3A_18] : memref<6x!tpu.dma_semaphore, #tpu.memory_space<semaphore_mem>> -> memref<1x!tpu.dma_semaphore, #tpu.memory_space<semaphore_mem>>
    %dma_wait3A_20 = tpu.memref_squeeze %dma_wait3A : memref<1x!tpu.dma_semaphore, #tpu.memory_space<semaphore_mem>> -> memref<!tpu.dma_semaphore, #tpu.memory_space<semaphore_mem>>
    %dma_wait3A_21 = arith.constant 0 : i32
    %dma_wait3A_22 = arith.constant 0 : i32
    %dma_wait3A_23 = tpu.memref_slice %arg5[%select_n3A_18, %dma_wait3A_21, %dma_wait3A_22] : memref<6x512x1000xf32, #tpu.memory_space<vmem>> -> memref<1x512x1000xf32, #tpu.memory_space<vmem>>
    %dma_wait3A_24 = tpu.memref_squeeze %dma_wait3A_23 : memref<1x512x1000xf32, #tpu.memory_space<vmem>> -> memref<512x1000xf32, #tpu.memory_space<vmem>>
    %dma_wait3A_25 = arith.constant 0 : i32
    %dma_wait3A_26 = tpu.memref_slice %arg1[%mul3A_19, %dma_wait3A_25] : memref<65536x1000xf32, #tpu.memory_space<any>> -> memref<512x1000xf32, #tpu.memory_space<any>>
    tpu.wait_dma2 semaphore(%dma_wait3A_20 : memref<!tpu.dma_semaphore, #tpu.memory_space<semaphore_mem>>) src(%dma_wait3A_26 : memref<512x1000xf32, #tpu.memory_space<any>>) dst(%dma_wait3A_24 : memref<512x1000xf32, #tpu.memory_space<vmem>>)
    %get3A = arith.index_cast %select_n3A_18 : i32 to index
    %get3A_27 = arith.constant 0 : index
    %get3A_28 = arith.constant 0 : index
    %get3A_29 = vector.load %arg5[%get3A, %get3A_27, %get3A_28] : memref<6x512x1000xf32, #tpu.memory_space<vmem>>, vector<1x512x1000xf32>
    %get3A_30 = vector.shape_cast %get3A_29 : vector<1x512x1000xf32> to vector<512x1000xf32>
    %reduce_max3A = arith.constant dense<0xFF800000> : vector<512xf32>
    %reduce_max3A_31 = vector.multi_reduction <maximumf>, %get3A_30, %reduce_max3A [1] : vector<512x1000xf32> to vector<512xf32>
    %iota3A = tpu.iota {dimensions = array<i32: 1>} : vector<512x1000xi32>
    %broadcast_in_dim3A = vector.shape_cast %reduce_max3A_31 : vector<512xf32> to vector<512x1xf32>
    %eq3A_32 = vector.broadcast %broadcast_in_dim3A : vector<512x1xf32> to vector<512x1000xf32>
    %eq3A_33 = arith.cmpf oeq, %get3A_30, %eq3A_32 : vector<512x1000xf32>
    %jit3A_34 = arith.constant 1000 : i32
    %broadcast_in_dim3A_35 = vector.broadcast %jit3A_34 : i32 to vector<512x1000xi32>
    %select_n3A_36 = arith.select %eq3A_33, %iota3A, %broadcast_in_dim3A_35 : vector<512x1000xi1>, vector<512x1000xi32>
    %reduce_min3A = arith.constant dense<2147483647> : vector<512xi32>
    %reduce_min3A_37 = vector.multi_reduction <minsi>, %select_n3A_36, %reduce_min3A [1] : vector<512x1000xi32> to vector<512xi32>
    %swap3A = arith.constant 0 : index
    %swap3A_38 = vector.load %arg3[%swap3A] : memref<512xf32, #tpu.memory_space<vmem>>, vector<512xf32>
    tpu.vector_store %arg3[%swap3A], %reduce_max3A_31 {strides = array<i32>} : memref<512xf32, #tpu.memory_space<vmem>>, vector<512xf32>,
    %get3A_39 = arith.constant 0 : index
    %get3A_40 = vector.load %arg2[%get3A_39] : memref<512xi32, #tpu.memory_space<vmem>>, vector<512xi32>
    %eq3A_41 = arith.cmpi eq, %reduce_min3A_37, %get3A_40 : vector<512xi32>
    %convert_element_type3A_42 = arith.extui %eq3A_41 : vector<512xi1> to vector<512xi32>
    %convert_element_type3A_43 = arith.sitofp %convert_element_type3A_42 : vector<512xi32> to vector<512xf32>
    %swap3A_44 = arith.constant 0 : index
    %swap3A_45 = vector.load %arg4[%swap3A_44] : memref<512xf32, #tpu.memory_space<vmem>>, vector<512xf32>
    tpu.vector_store %arg4[%swap3A_44], %convert_element_type3A_43 {strides = array<i32>} : memref<512xf32, #tpu.memory_space<vmem>>, vector<512xf32>,
    return
  }
  func.func @transform_1(%arg0: i32) -> i32 {
    %c0_i32 = arith.constant 0 : i32
    return %arg0 : i32
  }
  func.func @transform_2(%arg0: i32) -> i32 {
    %c0_i32 = arith.constant 0 : i32
    return %arg0 : i32
  }
  func.func @transform_3(%arg0: i32) -> i32 {
    %c0_i32 = arith.constant 0 : i32
    return %arg0 : i32
  }
}

</mosaic_0001>

<sc_bundles>
// kernel: kernel.4.cloned.1.call-start
scs
__scs_entry_jumppad:
0x0: {  	(pc) =	sbr.rel $0x88, $3  }
0x1: {  	(tag) =	ssettag $0x0;
	lr =	simm.s32 $0x1  }
0x2: {  	[smem:$0x3F9F] =	sst lr;
	_ =	strace $0xD0000000  }
0x3: {  	_ = 	snop  }
0x4: {  	_ = 	snop  }
0x5: {  	_ = 	snop  }
0x6: {  	_ = 	snop  }
0x7: {  	_ = 	snop  }
__scs_overlays_trampoline_lowered:
0x8: {  	[smem:$0x3FAE] =	sst s0  }
0x9: {  	[smem:$0x3FAF] =	sst s1  }
0xa: {  	[smem:$0x3FB0] =	sst s2  }
0xb: {  	[smem:$0x3FB1] =	sst s3  }
0xc: {  	[smem:$0x3FB2] =	sst s4  }
0xd: {  	[smem:$0x3FB3] =	sst s5  }
0xe: {  	[smem:$0x3FB4] =	sst s6  }
0xf: {  	[smem:$0x3FB5] =	sst s7  }
0x10: {  	[smem:$0x3FB6] =	sst s8  }
0x11: {  	[smem:$0x3FB7] =	sst s9;
	s0 =	simm.s32 @!p0 $0x0  }
0x12: {  	s1 =	sld [smem:$0x3F9D];
	s0 =	simm.s32 @p0 $0x1  }
0x13: {  	[smem:$0x3FB8] =	sst s0;
	s0 =	simm.s32 @!p1 $0x0  }
0x14: {  	s2 =	sld [smem:$0x3F9C];
	s0 =	simm.s32 @p1 $0x1  }
0x15: {  	[smem:$0x3FB9] =	sst s0;
	s0 =	simm.s32 @!p2 $0x0  }
0x16: {  	s3 =	sld [smem:$0x3FDB];
	s0 =	simm.s32 @p2 $0x1  }
0x17: {  	s4 =	simm.s32 $0x1BF5;
	[smem:$0x3FBB] =	sst s0  }
0x18: {  	s0 =	sld [smem:$0x3F9E];
	_ =	swait.ge [sflag:s4], $0x0  }
0x19: {  	s7 =	sld [smem:$0x3F9F]  }
0x1a: {  	s8 =	sadd.s32 $0xFFFFE003, lr  }
0x1b: {  	s9 =	sadd.s32 $0xFFFFFEF7, lr;
	s5 =	simm.s32 $0xFFFFFFFF;
	p2 =	slt.u32 s8, $0xFFFFF086  }
0x1c: {  	p1 =	slt.u32 s9, $0xF7A;
	s5 =	simm.s32 @!p2 $0x0  }
0x1d: {  	s5 =	simm.s32 @p1 $0x1;
	p0 =	seq.s32 s7, s2  }
0x1e: {  	s7 =	smul.u32 @!p0 $0xF7A, s2;
	p2 =	seq.s32 @!p0 s5, $0x0  }
0x1f: {  	s9 =	smul.u32 $0xF7A, s1;
	s8 =	simm.s32 @!p0 $0x1BF5;
	p2 =	por !p2, p0  }
0x20: {  	[sflag:s8] =	ssyncset.s32 @!p0 $0xFFFFF086;
	s6 =	sadd.s32 @!p0 s3, s7;
	s7 =	simm.s32 @!p0 $0x108  }
0x21: {  	s3 =	sadd.s32 s3, s9;
	s6 =	sadd.s32 @!p0 $0x88, s6;
	s7 =	simm.s32 @p2 $0x1082  }
0x22: {  	[simem:s7], [sflag:s8] =	dma.local @!p0 [hbm:s6], $0xF7A  }
0x23: {  	s9 =	sor.u32 $0xD0000000, s2;
	s6 =	simm.s32 $0x108;
	_ =	swait.ge @!p0 [sflag:s8], $0x0  }
0x24: {  	s3 =	sadd.s32 $0x88, s3;
	s6 =	simm.s32 @!p1 $0x1082;
	[sflag:s4] =	ssyncset.s32 $0xFFFFF086  }
0x25: {  	[simem:s6], [sflag:s4] =	dma.local [hbm:s3], $0xF7A  }
0x26: {  	[smem:$0x3F9F] =	sst s1;
	(tag) =	ssettag s2;
	_ =	strace s9  }
0x27: {  	s1 =	sld [smem:$0x3FAF]  }
0x28: {  	s2 =	sld [smem:$0x3FB0]  }
0x29: {  	s4 =	sld [smem:$0x3FB2]  }
0x2a: {  	p0 =	seq.s32 s5, $0x0;
	s5 =	sld [smem:$0x3FB3]  }
0x2b: {  	s6 =	sld [smem:$0x3FB4]  }
0x2c: {  	s7 =	sld [smem:$0x3FB5]  }
0x2d: {  	s3 =	simm.s32 $0x108;
	s8 =	sld [smem:$0x3FB6]  }
0x2e: {  	s3 =	simm.s32 @!p0 $0x1082;
	s9 =	sld [smem:$0x3FB7]  }
0x2f: {  	lr =	sadd.s32 s0, s3;
	s0 =	sld [smem:$0x3FAE]  }
0x30: {  	s3 =	sld [smem:$0x3FB1]  }
0x31: {  	[smem:$0x3FBA] =	sst s10  }
0x32: {  	s10 =	sld [smem:$0x3FB8];
	_ =	sdelay $0x3  }
0x33: {  	p0 =	seq.s32 s10, $0x1;
	s10 =	sld [smem:$0x3FBA];
	_ =	sdelay $0x3  }
0x34: {  	[smem:$0x3FBA] =	sst s10  }
0x35: {  	s10 =	sld [smem:$0x3FB9];
	_ =	sdelay $0x3  }
0x36: {  	p1 =	seq.s32 s10, $0x1;
	s10 =	sld [smem:$0x3FBA];
	_ =	sdelay $0x3  }
0x37: {  	[smem:$0x3FBA] =	sst s10  }
0x38: {  	s10 =	sld [smem:$0x3FBB]  }
0x39: {  	_ = 	snop;
	(pc) =	sbr.ind lr, $3  }
0x3a: {  	_ = 	snop  }
0x3b: {  	_ = 	snop  }
0x3c: {  	p2 =	seq.s32 s10, $0x1;
	s10 =	sld [smem:$0x3FBA]  }
0x3d: {  	_ =	shalt  }
0x3e: {  	_ =	shalt  }
0x3f: {  	_ =	shalt  }
0x40: {  	_ =	shalt  }
0x41: {  	_ =	shalt  }
0x42: {  	_ =	shalt  }
0x43: {  	_ =	shalt  }
0x44: {  	_ =	shalt  }
0x45: {  	_ =	shalt  }
0x46: {  	_ =	shalt  }
0x47: {  	_ =	shalt  }
0x48: {  	_ =	shalt  }
0x49: {  	_ =	shalt  }
0x4a: {  	_ =	shalt  }
0x4b: {  	_ =	shalt  }
0x4c: {  	_ =	shalt  }
0x4d: {  	_ =	shalt  }
0x4e: {  	_ =	shalt  }
0x4f: {  	_ =	shalt  }
0x50: {  	_ =	shalt  }
0x51: {  	_ =	shalt  }
0x52: {  	_ =	shalt  }
0x53: {  	_ =	shalt  }
0x54: {  	_ =	shalt  }
0x55: {  	_ =	shalt  }
0x56: {  	_ =	shalt  }
0x57: {  	_ =	shalt  }
0x58: {  	_ =	shalt  }
0x59: {  	_ =	shalt  }
0x5a: {  	_ =	shalt  }
0x5b: {  	_ =	shalt  }
0x5c: {  	_ =	shalt  }
0x5d: {  	_ =	shalt  }
0x5e: {  	_ =	shalt  }
0x5f: {  	_ =	shalt  }
0x60: {  	_ =	shalt  }
0x61: {  	_ =	shalt  }
0x62: {  	_ =	shalt  }
0x63: {  	_ =	shalt  }
0x64: {  	_ =	shalt  }
0x65: {  	_ =	shalt  }
0x66: {  	_ =	shalt  }
0x67: {  	_ =	shalt  }
0x68: {  	_ =	shalt  }
0x69: {  	_ =	shalt  }
0x6a: {  	_ =	shalt  }
0x6b: {  	_ =	shalt  }
0x6c: {  	_ =	shalt  }
0x6d: {  	_ =	shalt  }
0x6e: {  	_ =	shalt  }
0x6f: {  	_ =	shalt  }
0x70: {  	_ =	shalt  }
0x71: {  	_ =	shalt  }
0x72: {  	_ =	shalt  }
0x73: {  	_ =	shalt  }
0x74: {  	_ =	shalt  }
0x75: {  	_ =	shalt  }
0x76: {  	_ =	shalt  }
0x77: {  	_ =	shalt  }
0x78: {  	_ =	shalt  }
0x79: {  	_ =	shalt  }
0x7a: {  	_ =	shalt  }
0x7b: {  	_ =	shalt  }
0x7c: {  	_ =	shalt  }
0x7d: {  	_ =	shalt  }
0x7e: {  	_ =	shalt  }
0x7f: {  	_ =	shalt  }
0x80: {  	_ =	shalt  }
0x81: {  	_ =	shalt  }
0x82: {  	_ =	shalt  }
0x83: {  	_ =	shalt  }
0x84: {  	_ =	shalt  }
0x85: {  	_ =	shalt  }
0x86: {  	_ =	shalt  }
0x87: {  	_ =	shalt  }
.Lfunc_end0:
.L_simem_size_0:
called_computation_lowered:
.L_overlay_start_0:
0x88: {  	s2 =	sld [smem:$0x3FD9]  }
0x89: {  	s3 =	sld [smem:$0x3FFE];
	_ =	sdelay $0x1  }
0x8a: {  	s1 =	srdreg.scid  }
0x8b: {  	s0 =	sand.u32 $0x1, s1  }
0x8c: {  	s17 =	sshll.u32 s0, $0xA;
	s2 =	sadd.s32 s3, s2  }
0x8d: {  	s2 =	sadd.s32 s2, s17  }
0x8e: {  	[smem:$0x3FC6] =	sst s2  }
0x8f: {  	_ = 	snop  }
0x90: {  	s2 =	sld [smem:$0x3FD0];
	(tm) =	ssettm $0x1  }
0x91: {  	s18 =	sld [smem:$0x3FFB];
	_ =	sdelay $0x3  }
0x92: {  	_ =	strace s18  }
0x93: {  	s3 =	sld [smem:$0x3FFC];
	_ =	sdelay $0x3  }
0x94: {  	_ =	strace s3  }
0x95: {  	s3 =	sld [smem:$0x3FFD];
	_ =	sdelay $0x3  }
0x96: {  	_ =	strace s3  }
0x97: {  	_ =	strace $0x8FFFFFFF  }
0x98: {  	s19 =	sld [smem:$0x3FDB];
	_ =	sdelay $0x1  }
0x99: {  	s4 =	simm.s32 $_scs_section_size  }
0x9a: {  	s5 =	simm.s32 $_size__tile_overlayer_lowered;
	s6 =	simm.s32 $_tile_overlayer_lowered  }
0x9b: {  	s22 =	simm.s32 $0x1BFF;
	s21 =	sshll.u32 s6, $0x1;
	s3 =	sadd.s32 s4, s19  }
0x9c: {  	s7 =	simm.s32 $0x0;
	s20 =	sshll.u32 s5, $0x1;
	s5 =	sadd.s32 s21, s3  }
0x9d: {  	[timem:s7], [sflag:s22] =	dma.local [hbm:s5], s20  }
0x9e: {  	_ =	swait.ge [sflag:s22], s20  }
0x9f: {  	s4 =	ssub.s32 $0x0, s20;
	[sflag:s22] =	ssyncset.done $0x0  }
0xa0: {  	[sflag:s22] =	ssyncadd.s32 s4;
	_ =	sdelay $0x1  }
0xa1: {  	s23 =	simm.s32 $0x1B8B  }
0xa2: {  	_ =	swait.ge [sflag:s23], $0x1  }
0xa3: {  	[sflag:s23] =	ssyncset.done $0x0  }
0xa4: {  	s25 =	simm.s32 $0x1B8E;
	s24 =	sld [smem:$0x3FFE];
	[sflag:s23] =	ssyncadd.s32 $0xFFFFFFFF  }
0xa5: {  	s26 =	simm.s32 $execute0_lowered;
	[smem:$0x3FD2] =	sst s25  }
0xa6: {  	s5 =	sshll.u32 s26, $0x1;
	_ =	strace $0x80000046;
	[dreg:$0x1] =	wrdreg $0xFFFFFFFF  }
0xa7: {  	s28 =	simm.s32 $_size_execute0_lowered;
	s3 =	sadd.s32 s3, s5;
	[dreg:$0x0] =	wrdreg $0x0  }
0xa8: {  	s5 =	sshll.u32 s28, $0x1;
	[dreg:$0x2] =	wrdreg s3  }
0xa9: {  	[dreg:$0x3] =	wrdreg s5  }
0xaa: {  	[dreg:$0x4] =	wrdreg $0xC0  }
0xab: {  	_ =	task [dreg:s7], $0x5FFFF  }
0xac: {  	[dreg:$0x1] =	wrdreg $0xFFFFFFFF  }
0xad: {  	[dreg:$0x0] =	wrdreg $0x60  }
0xae: {  	[dreg:$0x2] =	wrdreg s24  }
0xaf: {  	[dreg:$0x3] =	wrdreg s2  }
0xb0: {  	[dreg:$0x4] =	wrdreg $0x9  }
0xb1: {  	_ =	task.clear_ibuf [dreg:s7], $0x5FFFF;
	_ =	strace $0x90000046  }
0xb2: {  	s29 =	simm.s32 $0x9;
	_ =	strace $0x80000048  }
0xb3: {  	_ =	swait.ge [sflag:s29], $0x1  }
0xb4: {  	[sflag:s29] =	ssyncadd.s32 $0xFFFFFFFF  }
0xb5: {  	_ =	strace $0x90000048  }
0xb6: {  	_ =	sfence  }
0xb7: {  	s30 =	sld [smem:$0x0];
	_ =	sdelay $0x2  }
0xb8: {  	s31 =	sshll.u32 s1, $0xD;
	s1 =	sshrl.u32 s1, $0x2  }
0xb9: {  	s3 =	sand.u32 $0x4000, s31;
	s1 =	sadd.s32 s1, s30  }
0xba: {  	s0 =	sor.u32 s3, s0;
	s1 =	sshll.u32 s1, $0x11  }
0xbb: {  	s0 =	sor.u32 s1, s0  }
0xbc: {  	s0 =	sadd.s32 $0x8F2B, s0  }
0xbd: {  	[sflag:s0] =	ssyncadd.remote.s32 $0x1  }
0xbe: {  	_ =	sfence.sel $0xFFFF  }
0xbf: {  	[dreg:$0x0] =	wrdreg $0xFFFFFFFF;
	(pc) =	sbr.abs _section_cstart, $3  }
0xc0: {  	[dreg:$0x1] =	wrdreg $0xFFFFFFFF  }
0xc1: {  	_ =	task.clear_ibuf [dreg:s7], $0x2FFFF;
	_ =	strace $0x9FFFFFFF  }
0xc2: {  	(tm) =	ssettm $0x7FFFFFFF  }
0xc3: {  	_ =	shalt  }
tec
execute0_lowered:
.L_overlay_start_1:
0x0: {  	(tag) =	ssettag $0x1  }
0x1: {  	s0 =	rddreg [dreg:$0x0];
	s5 =	simm.s32 $0x0  }
0x2: {  	s1 =	simm.s32 $0x1080;
	[smem:$0x7FF] =	sst s5  }
0x3: {  	s23 =	simm.s32 $0x1100;
	_ =	strace $0x80000047;
	[dreg:$0x3] =	wrdreg s1  }
0x4: {  	s24 =	simm.s32 $0x1180;
	[dreg:$0x4] =	wrdreg s23  }
0x5: {  	s25 =	simm.s32 $0x1280;
	[dreg:$0x5] =	wrdreg s24  }
0x6: {  	s26 =	simm.s32 $0x1300;
	[dreg:$0x6] =	wrdreg s25  }
0x7: {  	s28 =	simm.s32 $0x1380;
	[dreg:$0x7] =	wrdreg s26  }
0x8: {  	s29 =	simm.s32 $0x1480;
	[dreg:$0x8] =	wrdreg s28  }
0x9: {  	s30 =	simm.s32 $0x1500;
	[dreg:$0x9] =	wrdreg s29  }
0xa: {  	s31 =	simm.s32 $0x1580;
	[dreg:$0xa] =	wrdreg s30  }
0xb: {  	s2 =	simm.s32 $0x1680;
	[dreg:$0xb] =	wrdreg s31  }
0xc: {  	s3 =	simm.s32 $0x1700;
	[dreg:$0xc] =	wrdreg s2  }
0xd: {  	s4 =	simm.s32 $0x1780;
	[dreg:$0xd] =	wrdreg s3  }
0xe: {  	s6 =	simm.s32 $0x1880;
	[dreg:$0xe] =	wrdreg s4  }
0xf: {  	s7 =	simm.s32 $0x1900;
	[dreg:$0xf] =	wrdreg s6  }
0x10: {  	s8 =	simm.s32 $0x1980;
	[dreg:$0x10] =	wrdreg s7  }
0x11: {  	s9 =	simm.s32 $0x1A80;
	[dreg:$0x11] =	wrdreg s8  }
0x12: {  	s10 =	simm.s32 $0x1B00;
	[dreg:$0x12] =	wrdreg s9  }
0x13: {  	s11 =	simm.s32 $0x1B80;
	[dreg:$0x13] =	wrdreg s10  }
0x14: {  	s12 =	simm.s32 $0x1C80;
	[dreg:$0x14] =	wrdreg s11  }
0x15: {  	s13 =	simm.s32 $0x1D00;
	[dreg:$0x15] =	wrdreg s12  }
0x16: {  	s14 =	simm.s32 $0x1D80;
	[dreg:$0x16] =	wrdreg s13  }
0x17: {  	s15 =	simm.s32 $0x1E80;
	[dreg:$0x17] =	wrdreg s14  }
0x18: {  	s16 =	simm.s32 $0x1F00;
	[dreg:$0x18] =	wrdreg s15  }
0x19: {  	s18 =	simm.s32 $0x1F80;
	[dreg:$0x19] =	wrdreg s16  }
0x1a: {  	s19 =	simm.s32 $0x2080;
	[dreg:$0x1a] =	wrdreg s18  }
0x1b: {  	s21 =	simm.s32 $0x2100;
	[dreg:$0x1b] =	wrdreg s19  }
0x1c: {  	s2 =	srdreg.scid;
	[dreg:$0x1c] =	wrdreg s21;
	s23 =	simm.s32 $0x2180  }
0x1d: {  	s3 =	stileid.u32;
	s25 =	simm.s32 $0x2280;
	[dreg:$0x1d] =	wrdreg s23  }
0x1e: {  	s28 =	simm.s32 $0x2300;
	s29 =	simm.s32 $0x2380;
	[dreg:$0x1e] =	wrdreg s25  }
0x1f: {  	s2 =	sand.u32 $0x1, s2;
	s3 =	sshll.u32 s3, $0x1;
	[dreg:$0x1f] =	wrdreg s28  }
0x20: {  	s30 =	simm.s32 $0x2480;
	[smem:$0x7FA] =	sst s29;
	s3 =	sor.u32 s2, s3  }
0x21: {  	s31 =	simm.s32 $0x2500;
	[smem:$0x7FB] =	sst s30;
	s4 =	sshll.u32 s3, $0x8  }
0x22: {  	[smem:$0x7FC] =	sst s31;
	s2 =	ssub.s32 $0x2, s2;
	s4 =	sadd.s32 s4, s0  }
0x23: {  	s3 =	smul.u32 $0x500, s3;
	s17 =	sshrl.u32 s2, $0x1;
	s20 =	sadd.s32 $0x400, s4  }
0x24: {  	s2 =	ssub.s32 s2, s17;
	s22 =	sadd.s32 $0x2400, s4;
	[smem:$0x7F7] =	sst s20  }
0x25: {  	s0 =	sadd.s32 s3, s0;
	s26 =	smax.u32 s2, $0x1;
	[smem:$0x7F8] =	sst s22  }
0x26: {  	s24 =	sadd.s32 $0x4400, s0;
	[smem:$0x7F9] =	sst s26  }
0x27: {  	v0 =	vimm.f32 $0.0e+00;
	s1 =	simm.s32 $0x1;
	s2 =	simm.s32 $0x0;
	[smem:$0x7FD] =	sst s24  }
.LBB2_1:
0x28: {  	s0 =	sld [smem:$0x7F7];
	_ =	sdelay $0x1  }
0x29: {  	[smem:$0x7F3] =	sst s2  }
0x2a: {  	[tilespmem:s5], [sflag:$0x1] =	stream.linear.gather [hbm4b:s0+s5], $0x800, $0x38;
	[tilespmem:$0x3880] =	vst v63  }
0x2b: {  	_ =	swait.ge [sflag:s1], $0x800  }
0x2c: {  	s12 =	sld [smem:$0x7F8]  }
0x2d: {  	[sflag:s1] =	ssyncset.done $0x0  }
0x2e: {  	s13 =	simm.s32 $0x800;
	[sflag:s1] =	ssyncadd.s32 $0xFFFFF800  }
0x2f: {  	[tilespmem:s13], [sflag:$0x1] =	stream.linear.gather [hbm4b:s12+s5], $0x800, $0x38;
	[tilespmem:$0x3880] =	vst v63  }
0x30: {  	_ =	swait.ge [sflag:s1], $0x800  }
0x31: {  	[sflag:s1] =	ssyncset.done $0x0  }
0x32: {  	[sflag:s1] =	ssyncadd.s32 $0xFFFFF800  }
0x33: {  	s15 =	simm.s32 $0x1000;
	s14 =	rddreg [dreg:$0x1]  }
0x34: {  	[tilespmem:s15], [sflag:$0x1] =	stream.linear.gather [hbm4b:s14+s5], $0x80, $0x38;
	[tilespmem:$0x3880] =	vst v63  }
0x35: {  	_ =	swait.ge [sflag:s1], $0x80  }
0x36: {  	[sflag:s1] =	ssyncset.done $0x0  }
0x37: {  	[sflag:s1] =	ssyncadd.s32 $0xFFFFFF80  }
0x38: {  	[tilespmem:$0x1080] =	vst v0  }
0x39: {  	[tilespmem:$0x1100] =	vst v0  }
0x3a: {  	[tilespmem:$0x1180] =	vst v0  }
0x3b: {  	[tilespmem:$0x1280] =	vst v0  }
0x3c: {  	[tilespmem:$0x1300] =	vst v0  }
0x3d: {  	[tilespmem:$0x1380] =	vst v0  }
0x3e: {  	[tilespmem:$0x1480] =	vst v0  }
0x3f: {  	[tilespmem:$0x1500] =	vst v0  }
0x40: {  	[tilespmem:$0x1580] =	vst v0  }
0x41: {  	[tilespmem:$0x1680] =	vst v0  }
0x42: {  	[tilespmem:$0x1700] =	vst v0  }
0x43: {  	[tilespmem:$0x1780] =	vst v0  }
0x44: {  	[tilespmem:$0x1880] =	vst v0  }
0x45: {  	[tilespmem:$0x1900] =	vst v0  }
0x46: {  	[tilespmem:$0x1980] =	vst v0  }
0x47: {  	[tilespmem:$0x1A80] =	vst v0  }
0x48: {  	[tilespmem:$0x1B00] =	vst v0  }
0x49: {  	[tilespmem:$0x1B80] =	vst v0  }
0x4a: {  	[tilespmem:$0x1C80] =	vst v0  }
0x4b: {  	[tilespmem:$0x1D00] =	vst v0  }
0x4c: {  	[tilespmem:$0x1D80] =	vst v0  }
0x4d: {  	[tilespmem:$0x1E80] =	vst v0  }
0x4e: {  	[tilespmem:$0x1F00] =	vst v0  }
0x4f: {  	[tilespmem:$0x1F80] =	vst v0  }
0x50: {  	[tilespmem:$0x2080] =	vst v0  }
0x51: {  	[tilespmem:$0x2100] =	vst v0  }
0x52: {  	[tilespmem:$0x2180] =	vst v0  }
0x53: {  	s9 =	rddreg [dreg:$0x3];
	[tilespmem:$0x2280] =	vst v0  }
0x54: {  	s30 =	rddreg [dreg:$0x5];
	[tilespmem:$0x2300] =	vst v0  }
0x55: {  	s0 =	rddreg [dreg:$0x6];
	[tilespmem:$0x2380] =	vst v0  }
0x56: {  	s31 =	rddreg [dreg:$0x7];
	[tilespmem:$0x2480] =	vst v0  }
0x57: {  	s26 =	rddreg [dreg:$0x8];
	[tilespmem:$0x2500] =	vst v0  }
0x58: {  	s28 =	rddreg [dreg:$0x9];
	[tilespmem:$0x2580] =	vst v0  }
0x59: {  	s16 =	rddreg [dreg:$0xa];
	[tilespmem:$0x2680] =	vst v0  }
0x5a: {  	s25 =	rddreg [dreg:$0xb];
	[tilespmem:$0x2700] =	vst v0  }
0x5b: {  	s24 =	rddreg [dreg:$0xc];
	[tilespmem:$0x2780] =	vst v0  }
0x5c: {  	s20 =	rddreg [dreg:$0xd];
	[tilespmem:$0x2880] =	vst v0  }
0x5d: {  	s18 =	rddreg [dreg:$0xe];
	[tilespmem:$0x2900] =	vst v0  }
0x5e: {  	s19 =	rddreg [dreg:$0xf];
	[tilespmem:$0x2980] =	vst v0  }
0x5f: {  	s17 =	rddreg [dreg:$0x10];
	[tilespmem:$0x2A80] =	vst v0  }
0x60: {  	s21 =	rddreg [dreg:$0x12];
	[tilespmem:$0x2B00] =	vst v0  }
0x61: {  	s14 =	rddreg [dreg:$0x14];
	[tilespmem:$0x2B80] =	vst v0  }
0x62: {  	s15 =	rddreg [dreg:$0x15];
	[tilespmem:$0x2C80] =	vst v0  }
0x63: {  	s13 =	rddreg [dreg:$0x16];
	[tilespmem:$0x2D00] =	vst v0  }
0x64: {  	s11 =	rddreg [dreg:$0x17];
	[tilespmem:$0x2D80] =	vst v0  }
0x65: {  	s12 =	rddreg [dreg:$0x18];
	[tilespmem:$0x2E80] =	vst v0  }
0x66: {  	s23 =	rddreg [dreg:$0x1a];
	[tilespmem:$0x2F00] =	vst v0;
	v1 =	vld [tilespmem:$0x1000]  }
0x67: {  	s29 =	rddreg [dreg:$0x1b];
	[tilespmem:$0x2F80] =	vst v0  }
0x68: {  	s3 =	rddreg [dreg:$0x1c];
	[tilespmem:$0x3080] =	vst v0  }
0x69: {  	s10 =	rddreg [dreg:$0x1d];
	[tilespmem:$0x3100] =	vst v0  }
0x6a: {  	s5 =	rddreg [dreg:$0x1e];
	[tilespmem:$0x3180] =	vst v0  }
0x6b: {  	s4 =	rddreg [dreg:$0x1f];
	[tilespmem:$0x3280] =	vst v0;
	v23 =	vbroadcast v1, $0x0  }
0x6c: {  	s8 =	sld [smem:$0x7FA];
	[tilespmem:$0x3300] =	vst v0;
	v22 =	vbroadcast v1, $0x1;
	v21 =	vbroadcast v1, $0x2  }
0x6d: {  	s7 =	sld [smem:$0x7FB];
	[tilespmem:$0x3380] =	vst v0;
	v20 =	vbroadcast v1, $0x3;
	v19 =	vbroadcast v1, $0x4  }
0x6e: {  	s6 =	sld [smem:$0x7FC];
	[tilespmem:$0x3480] =	vst v0;
	v2 =	vld [tilespmem:$0x1010];
	v18 =	vbroadcast v1, $0x5;
	v17 =	vbroadcast v1, $0x6  }
0x6f: {  	s1 =	rddreg [dreg:$0x4];
	[tilespmem:$0x3500] =	vst v0;
	v16 =	vbroadcast v1, $0x7;
	v15 =	vbroadcast v1, $0x8  }
0x70: {  	[smem:$0x7F4] =	sst s16;
	[tilespmem:$0x3580] =	vst v0;
	v14 =	vbroadcast v1, $0x9;
	v13 =	vbroadcast v1, $0xA  }
0x71: {  	[smem:$0x7F5] =	sst s17;
	[tilespmem:$0x3680] =	vst v0;
	v12 =	vbroadcast v1, $0xB;
	v11 =	vbroadcast v1, $0xC  }
0x72: {  	s17 =	rddreg [dreg:$0x11];
	[tilespmem:$0x3700] =	vst v0;
	v10 =	vbroadcast v1, $0xD;
	v9 =	vbroadcast v1, $0xE  }
0x73: {  	s22 =	simm.s32 $0x0;
	[smem:$0x7F6] =	sst s21;
	[tilespmem:$0x3780] =	vst v0;
	v8 =	vbroadcast v1, $0xF;
	v7 =	vbroadcast v2, $0x0  }
0x74: {  	s16 =	rddreg [dreg:$0x13];
	v3 =	vld [tilespmem:s22+$0x0];
	v6 =	vbroadcast v2, $0x1;
	v5 =	vbroadcast v2, $0x2  }
0x75: {  	s2 =	simm.s32 $0x40;
	s21 =	rddreg [dreg:$0x19];
	v4 =	vld [tilespmem:s22+$0x800];
	v1 =	vbroadcast v2, $0x3;
	v2 =	vbroadcast v2, $0x4  }
.LBB2_2:
0x76: {  	_ =	sdelay $0x2  }
0x77: {  	vm0 =	vgt.f32 v3, v23;
	vm1 =	vle.f32 v3, v22  }
0x78: {  	vm0 =	vmand vm0, vm1  }
0x79: {  	v24 =	vsel vm0, $0x3F800000, v0  }
0x7a: {  	vm9 =	vgt.f32 v3, v22;
	vm2 =	vle.f32 v3, v21;
	v25 =	vnsel vm0, $0x0, v3;
	[tilespmem:s9+$0x0] =	vst.add.f32.msk $0xffff, v24  }
0x7b: {  	vm10 =	vmand vm9, vm2;
	v26 =	vnsel vm0, $0x0, v4;
	[tilespmem:s1+$0x0] =	vst.add.f32.msk $0xffff, v25  }
0x7c: {  	v47 =	vsel vm10, $0x3F800000, v0;
	[tilespmem:s30+$0x0] =	vst.add.f32.msk $0xffff, v26  }
0x7d: {  	v48 =	vnsel vm10, $0x0, v3;
	[tilespmem:s0+$0x0] =	vst.add.f32.msk $0xffff, v47  }
0x7e: {  	vm11 =	vgt.f32 v3, v21;
	vm12 =	vle.f32 v3, v20;
	v27 =	vnsel vm10, $0x0, v4;
	[tilespmem:s31+$0x0] =	vst.add.f32.msk $0xffff, v48  }
0x7f: {  	vm0 =	vmand vm11, vm12;
	[tilespmem:s26+$0x0] =	vst.add.f32.msk $0xffff, v27;
	s26 =	sld [smem:$0x7F4]  }
0x80: {  	v49 =	vsel vm0, $0x3F800000, v0  }
0x81: {  	vm13 =	vgt.f32 v3, v20;
	vm14 =	vle.f32 v3, v19;
	v50 =	vnsel vm0, $0x0, v3;
	[tilespmem:s28+$0x0] =	vst.add.f32.msk $0xffff, v49  }
0x82: {  	vm15 =	vmand vm13, vm14;
	v51 =	vnsel vm0, $0x0, v4;
	[tilespmem:s26+$0x0] =	vst.add.f32.msk $0xffff, v50  }
0x83: {  	v52 =	vsel vm15, $0x3F800000, v0;
	[tilespmem:s25+$0x0] =	vst.add.f32.msk $0xffff, v51  }
0x84: {  	vm4 =	vgt.f32 v3, v19;
	vm5 =	vle.f32 v3, v18;
	v53 =	vnsel vm15, $0x0, v3;
	[tilespmem:s24+$0x0] =	vst.add.f32.msk $0xffff, v52  }
0x85: {  	vm6 =	vmand vm4, vm5;
	v54 =	vnsel vm15, $0x0, v4;
	[tilespmem:s20+$0x0] =	vst.add.f32.msk $0xffff, v53  }
0x86: {  	s22 =	smov.u32 s21;
	s21 =	smov.u32 s19;
	v55 =	vsel vm6, $0x3F800000, v0;
	[tilespmem:s18+$0x0] =	vst.add.f32.msk $0xffff, v54  }
0x87: {  	[tilespmem:s21+$0x0] =	vst.add.f32.msk $0xffff, v55;
	s21 =	sld [smem:$0x7F5];
	_ =	sdelay $0x1  }
0x88: {  	v56 =	vnsel vm6, $0x0, v3  }
0x89: {  	vm7 =	vgt.f32 v3, v18;
	vm8 =	vle.f32 v3, v17;
	[tilespmem:s21+$0x0] =	vst.add.f32.msk $0xffff, v56;
	s21 =	sld [smem:$0x7F6]  }
0x8a: {  	v57 =	vnsel vm6, $0x0, v4;
	vm0 =	vmand vm7, vm8  }
0x8b: {  	v58 =	vsel vm0, $0x3F800000, v0;
	[tilespmem:s17+$0x0] =	vst.add.f32.msk $0xffff, v57  }
0x8c: {  	vm9 =	vgt.f32 v3, v17;
	vm10 =	vle.f32 v3, v16;
	v59 =	vnsel vm0, $0x0, v3;
	[tilespmem:s21+$0x0] =	vst.add.f32.msk $0xffff, v58  }
0x8d: {  	v60 =	vnsel vm0, $0x0, v4;
	vm0 =	vmand vm9, vm10;
	[tilespmem:s16+$0x0] =	vst.add.f32.msk $0xffff, v59  }
0x8e: {  	v61 =	vsel vm0, $0x3F800000, v0;
	[tilespmem:s14+$0x0] =	vst.add.f32.msk $0xffff, v60  }
0x8f: {  	vm11 =	vgt.f32 v3, v16;
	vm12 =	vle.f32 v3, v15;
	v62 =	vnsel vm0, $0x0, v3;
	[tilespmem:s15+$0x0] =	vst.add.f32.msk $0xffff, v61  }
0x90: {  	v63 =	vnsel vm0, $0x0, v4;
	vm0 =	vmand vm11, vm12;
	[tilespmem:s13+$0x0] =	vst.add.f32.msk $0xffff, v62  }
0x91: {  	v28 =	vsel vm0, $0x3F800000, v0;
	[tilespmem:s11+$0x0] =	vst.add.f32.msk $0xffff, v63  }
0x92: {  	vm13 =	vgt.f32 v3, v15;
	vm14 =	vle.f32 v3, v14;
	v29 =	vnsel vm0, $0x0, v3;
	[tilespmem:s12+$0x0] =	vst.add.f32.msk $0xffff, v28  }
0x93: {  	v30 =	vnsel vm0, $0x0, v4;
	vm0 =	vmand vm13, vm14;
	[tilespmem:s22+$0x0] =	vst.add.f32.msk $0xffff, v29  }
0x94: {  	s19 =	sshra.s32 s2, $0x2;
	v31 =	vsel vm0, $0x3F800000, v0;
	[tilespmem:s23+$0x0] =	vst.add.f32.msk $0xffff, v30  }
0x95: {  	[smem:$0x7F1] =	sst s19;
	vm4 =	vle.f32 v3, v13;
	vm15 =	vgt.f32 v3, v14;
	v32 =	vnsel vm0, $0x0, v3;
	[tilespmem:s29+$0x0] =	vst.add.f32.msk $0xffff, v31  }
0x96: {  	s19 =	rddreg [dreg:$0xe];
	vm5 =	vmand vm15, vm4;
	v33 =	vnsel vm0, $0x0, v4;
	[tilespmem:s3+$0x0] =	vst.add.f32.msk $0xffff, v32  }
0x97: {  	[smem:$0x7F2] =	sst s19;
	v34 =	vsel vm5, $0x3F800000, v0;
	[tilespmem:s10+$0x0] =	vst.add.f32.msk $0xffff, v33  }
0x98: {  	s19 =	rddreg [dreg:$0xf];
	vm6 =	vgt.f32 v3, v13;
	vm7 =	vle.f32 v3, v12;
	v35 =	vnsel vm5, $0x0, v3;
	[tilespmem:s5+$0x0] =	vst.add.f32.msk $0xffff, v34  }
0x99: {  	s9 =	rddreg [dreg:$0x3];
	v36 =	vnsel vm5, $0x0, v4;
	vm0 =	vmand vm6, vm7;
	[tilespmem:s4+$0x0] =	vst.add.f32.msk $0xffff, v35  }
0x9a: {  	s1 =	rddreg [dreg:$0x4];
	v37 =	vsel vm0, $0x3F800000, v0;
	[tilespmem:s8+$0x0] =	vst.add.f32.msk $0xffff, v36  }
0x9b: {  	vm8 =	vgt.f32 v3, v12;
	vm9 =	vle.f32 v3, v11;
	s30 =	rddreg [dreg:$0x5];
	v38 =	vnsel vm0, $0x0, v3;
	[tilespmem:s7+$0x0] =	vst.add.f32.msk $0xffff, v37  }
0x9c: {  	vm10 =	vmand vm8, vm9;
	s0 =	rddreg [dreg:$0x6];
	v39 =	vnsel vm0, $0x0, v4;
	s11 =	simm.s32 $0x2580;
	[tilespmem:s6+$0x0] =	vst.add.f32.msk $0xffff, v38  }
0x9d: {  	v40 =	vsel vm10, $0x3F800000, v0;
	s31 =	rddreg [dreg:$0x7];
	s22 =	simm.s32 $0x2680;
	[tilespmem:s11+$0x0] =	vst.add.f32.msk $0xffff, v39  }
0x9e: {  	vm11 =	vgt.f32 v3, v11;
	vm12 =	vle.f32 v3, v10;
	v41 =	vnsel vm10, $0x0, v3;
	s28 =	rddreg [dreg:$0x9];
	s7 =	simm.s32 $0x2700;
	[tilespmem:s22+$0x0] =	vst.add.f32.msk $0xffff, v40  }
0x9f: {  	vm0 =	vmand vm11, vm12;
	s26 =	rddreg [dreg:$0x8];
	v28 =	vnsel vm10, $0x0, v4;
	s11 =	simm.s32 $0x2780;
	[tilespmem:s7+$0x0] =	vst.add.f32.msk $0xffff, v41  }
0xa0: {  	v42 =	vsel vm0, $0x3F800000, v0;
	s25 =	rddreg [dreg:$0xa];
	s22 =	simm.s32 $0x2880;
	[tilespmem:s11+$0x0] =	vst.add.f32.msk $0xffff, v28  }
0xa1: {  	vm13 =	vgt.f32 v3, v10;
	vm14 =	vle.f32 v3, v9;
	v43 =	vnsel vm0, $0x0, v3;
	[smem:$0x7F4] =	sst s25;
	[tilespmem:s22+$0x0] =	vst.add.f32.msk $0xffff, v42;
	s22 =	simm.s32 $0x2900  }
0xa2: {  	v44 =	vnsel vm0, $0x0, v4;
	vm0 =	vmand vm13, vm14;
	s25 =	rddreg [dreg:$0xb];
	[tilespmem:s22+$0x0] =	vst.add.f32.msk $0xffff, v43;
	s22 =	simm.s32 $0x2980  }
0xa3: {  	v45 =	vsel vm0, $0x3F800000, v0;
	s24 =	rddreg [dreg:$0xc];
	[tilespmem:s22+$0x0] =	vst.add.f32.msk $0xffff, v44;
	s22 =	simm.s32 $0x2A80  }
0xa4: {  	vm15 =	vgt.f32 v3, v9;
	vm4 =	vle.f32 v3, v8;
	v46 =	vnsel vm0, $0x0, v3;
	s20 =	rddreg [dreg:$0xd];
	[tilespmem:s22+$0x0] =	vst.add.f32.msk $0xffff, v45;
	s22 =	simm.s32 $0x2B00  }
0xa5: {  	v47 =	vnsel vm0, $0x0, v4;
	vm0 =	vmand vm15, vm4;
	s18 =	rddreg [dreg:$0x10];
	[tilespmem:s22+$0x0] =	vst.add.f32.msk $0xffff, v46;
	s22 =	simm.s32 $0x2B80  }
0xa6: {  	v48 =	vsel vm0, $0x3F800000, v0;
	[smem:$0x7F5] =	sst s18;
	[tilespmem:s22+$0x0] =	vst.add.f32.msk $0xffff, v47;
	s22 =	simm.s32 $0x2C80  }
0xa7: {  	vm5 =	vgt.f32 v3, v8;
	vm6 =	vle.f32 v3, v7;
	v49 =	vnsel vm0, $0x0, v3;
	s18 =	rddreg [dreg:$0x11];
	[tilespmem:s22+$0x0] =	vst.add.f32.msk $0xffff, v48;
	s22 =	simm.s32 $0x2D00  }
0xa8: {  	v50 =	vnsel vm0, $0x0, v4;
	vm0 =	vmand vm5, vm6;
	s17 =	rddreg [dreg:$0x13];
	[tilespmem:s22+$0x0] =	vst.add.f32.msk $0xffff, v49;
	s22 =	simm.s32 $0x2D80  }
0xa9: {  	v51 =	vsel vm0, $0x3F800000, v0;
	s21 =	rddreg [dreg:$0x12];
	[tilespmem:s22+$0x0] =	vst.add.f32.msk $0xffff, v50;
	s22 =	simm.s32 $0x2E80  }
0xaa: {  	vm8 =	vle.f32 v3, v6;
	vm7 =	vgt.f32 v3, v7;
	v52 =	vnsel vm0, $0x0, v3;
	[smem:$0x7F6] =	sst s21;
	[tilespmem:s22+$0x0] =	vst.add.f32.msk $0xffff, v51;
	s22 =	simm.s32 $0x2F00  }
0xab: {  	v53 =	vnsel vm0, $0x0, v4;
	vm0 =	vmand vm7, vm8;
	s16 =	rddreg [dreg:$0x14];
	[tilespmem:s22+$0x0] =	vst.add.f32.msk $0xffff, v52;
	s22 =	simm.s32 $0x2F80  }
0xac: {  	v54 =	vsel vm0, $0x3F800000, v0;
	s21 =	rddreg [dreg:$0x19];
	[tilespmem:s22+$0x0] =	vst.add.f32.msk $0xffff, v53;
	s22 =	simm.s32 $0x3080  }
0xad: {  	vm9 =	vgt.f32 v3, v6;
	v56 =	vnsel vm0, $0x0, v3;
	s14 =	rddreg [dreg:$0x16];
	vm10 =	vle.f32 v3, v5;
	[tilespmem:s22+$0x0] =	vst.add.f32.msk $0xffff, v54;
	s22 =	simm.s32 $0x3100  }
0xae: {  	v55 =	vnsel vm0, $0x0, v4;
	s15 =	rddreg [dreg:$0x15];
	vm0 =	vmand vm9, vm10;
	[tilespmem:s22+$0x0] =	vst.add.f32.msk $0xffff, v56;
	s22 =	simm.s32 $0x3180  }
0xaf: {  	s13 =	rddreg [dreg:$0x17];
	v57 =	vsel vm0, $0x3F800000, v0;
	[tilespmem:s22+$0x0] =	vst.add.f32.msk $0xffff, v55;
	s22 =	simm.s32 $0x3280  }
0xb0: {  	vm11 =	vgt.f32 v3, v5;
	vm12 =	vle.f32 v3, v1;
	s12 =	rddreg [dreg:$0x18];
	v58 =	vnsel vm0, $0x0, v3;
	[tilespmem:s22+$0x0] =	vst.add.f32.msk $0xffff, v57;
	s22 =	simm.s32 $0x3300  }
0xb1: {  	s23 =	rddreg [dreg:$0x1a];
	v59 =	vnsel vm0, $0x0, v4;
	vm0 =	vmand vm11, vm12;
	[tilespmem:s22+$0x0] =	vst.add.f32.msk $0xffff, v58;
	s22 =	simm.s32 $0x3380  }
0xb2: {  	s29 =	rddreg [dreg:$0x1b];
	v60 =	vsel vm0, $0x3F800000, v0;
	[tilespmem:s22+$0x0] =	vst.add.f32.msk $0xffff, v59;
	s22 =	simm.s32 $0x3480  }
0xb3: {  	vm13 =	vgt.f32 v3, v1;
	vm14 =	vle.f32 v3, v2;
	v61 =	vnsel vm0, $0x0, v3;
	s3 =	rddreg [dreg:$0x1c];
	[tilespmem:s22+$0x0] =	vst.add.f32.msk $0xffff, v60;
	s22 =	simm.s32 $0x3500  }
0xb4: {  	vm15 =	vmand vm13, vm14;
	v62 =	vnsel vm0, $0x0, v4;
	s10 =	rddreg [dreg:$0x1d];
	[tilespmem:s22+$0x0] =	vst.add.f32.msk $0xffff, v61;
	s22 =	simm.s32 $0x3580  }
0xb5: {  	v63 =	vsel vm15, $0x3F800000, v0;
	s5 =	rddreg [dreg:$0x1e];
	[tilespmem:s22+$0x0] =	vst.add.f32.msk $0xffff, v62;
	s22 =	simm.s32 $0x3680  }
0xb6: {  	v3 =	vnsel vm15, $0x0, v3;
	s4 =	rddreg [dreg:$0x1f];
	[tilespmem:s22+$0x0] =	vst.add.f32.msk $0xffff, v63;
	s22 =	simm.s32 $0x3700  }
0xb7: {  	p0 =	sne.s32 s2, $0x1FC0;
	v4 =	vnsel vm15, $0x0, v4;
	s8 =	sld [smem:$0x7FA];
	[tilespmem:s22+$0x0] =	vst.add.f32.msk $0xffff, v3;
	s22 =	simm.s32 $0x3780  }
.Ltmp0:
0xb8: {  	[tilespmem:s22+$0x0] =	vst.add.f32.msk $0xffff, v4;
	s22 =	sld [smem:$0x7F1];
	(pc) =	sbr.rel @p0 .LBB2_2-.Ltmp0, $4  }
0xb9: {  	s6 =	sld [smem:$0x7FC]  }
0xba: {  	s2 =	sadd.s32 $0x40, s2;
	s7 =	sld [smem:$0x7FB]  }
0xbb: {  	s11 =	smov.u32 s13;
	s13 =	smov.u32 s14;
	s14 =	smov.u32 s16;
	v3 =	vld [tilespmem:s22+$0x0]  }
0xbc: {  	s16 =	smov.u32 s17;
	s17 =	smov.u32 s18;
	s18 =	sld [smem:$0x7F2];
	v4 =	vld [tilespmem:s22+$0x800]  }
0xbd: {  	_ =	sdelay $0x2  }
0xbe: {  	vm0 =	vgt.f32 v3, v23;
	vm1 =	vle.f32 v3, v22  }
0xbf: {  	vm0 =	vmand vm0, vm1  }
0xc0: {  	v51 =	vsel vm0, $0x3F800000, v0  }
0xc1: {  	vm8 =	vgt.f32 v3, v22;
	vm2 =	vle.f32 v3, v21;
	v52 =	vnsel vm0, $0x0, v3;
	[tilespmem:s9+$0x0] =	vst.add.f32.msk $0xffff, v51  }
0xc2: {  	vm9 =	vmand vm8, vm2;
	v53 =	vnsel vm0, $0x0, v4;
	[tilespmem:s1+$0x0] =	vst.add.f32.msk $0xffff, v52  }
0xc3: {  	v54 =	vsel vm9, $0x3F800000, v0;
	[tilespmem:s30+$0x0] =	vst.add.f32.msk $0xffff, v53  }
0xc4: {  	vm10 =	vgt.f32 v3, v21;
	vm11 =	vle.f32 v3, v20;
	v55 =	vnsel vm9, $0x0, v3;
	[tilespmem:s0+$0x0] =	vst.add.f32.msk $0xffff, v54  }
0xc5: {  	vm12 =	vmand vm10, vm11;
	v56 =	vnsel vm9, $0x0, v4;
	[tilespmem:s31+$0x0] =	vst.add.f32.msk $0xffff, v55;
	s31 =	sld [smem:$0x7F4]  }
0xc6: {  	v57 =	vsel vm12, $0x3F800000, v0;
	[tilespmem:s26+$0x0] =	vst.add.f32.msk $0xffff, v56  }
0xc7: {  	vm13 =	vgt.f32 v3, v20;
	vm14 =	vle.f32 v3, v19;
	v58 =	vnsel vm12, $0x0, v3;
	[tilespmem:s28+$0x0] =	vst.add.f32.msk $0xffff, v57  }
0xc8: {  	vm15 =	vmand vm13, vm14;
	v59 =	vnsel vm12, $0x0, v4;
	[tilespmem:s31+$0x0] =	vst.add.f32.msk $0xffff, v58  }
0xc9: {  	v60 =	vsel vm15, $0x3F800000, v0;
	[tilespmem:s25+$0x0] =	vst.add.f32.msk $0xffff, v59  }
0xca: {  	vm4 =	vgt.f32 v3, v19;
	vm5 =	vle.f32 v3, v18;
	v61 =	vnsel vm15, $0x0, v3;
	[tilespmem:s24+$0x0] =	vst.add.f32.msk $0xffff, v60  }
0xcb: {  	vm6 =	vmand vm4, vm5;
	v62 =	vnsel vm15, $0x0, v4;
	s1 =	sld [smem:$0x7F5];
	[tilespmem:s20+$0x0] =	vst.add.f32.msk $0xffff, v61  }
0xcc: {  	v63 =	vsel vm6, $0x3F800000, v0;
	[tilespmem:s18+$0x0] =	vst.add.f32.msk $0xffff, v62  }
0xcd: {  	s2 =	sld [smem:$0x7F6];
	vm7 =	vgt.f32 v3, v18;
	vm8 =	vle.f32 v3, v17;
	v21 =	vnsel vm6, $0x0, v3;
	[tilespmem:s19+$0x0] =	vst.add.f32.msk $0xffff, v63  }
0xce: {  	v22 =	vnsel vm6, $0x0, v4;
	vm9 =	vmand vm7, vm8;
	[tilespmem:s1+$0x0] =	vst.add.f32.msk $0xffff, v21  }
0xcf: {  	v23 =	vsel vm9, $0x3F800000, v0;
	[tilespmem:s17+$0x0] =	vst.add.f32.msk $0xffff, v22  }
0xd0: {  	vm10 =	vgt.f32 v3, v17;
	vm11 =	vle.f32 v3, v16;
	v24 =	vnsel vm9, $0x0, v3;
	[tilespmem:s2+$0x0] =	vst.add.f32.msk $0xffff, v23  }
0xd1: {  	vm12 =	vmand vm10, vm11;
	v25 =	vnsel vm9, $0x0, v4;
	[tilespmem:s16+$0x0] =	vst.add.f32.msk $0xffff, v24  }
0xd2: {  	v26 =	vsel vm12, $0x3F800000, v0;
	[tilespmem:s14+$0x0] =	vst.add.f32.msk $0xffff, v25  }
0xd3: {  	vm13 =	vgt.f32 v3, v16;
	vm14 =	vle.f32 v3, v15;
	v27 =	vnsel vm12, $0x0, v3;
	[tilespmem:s15+$0x0] =	vst.add.f32.msk $0xffff, v26  }
0xd4: {  	vm15 =	vmand vm13, vm14;
	v28 =	vnsel vm12, $0x0, v4;
	[tilespmem:s13+$0x0] =	vst.add.f32.msk $0xffff, v27  }
0xd5: {  	v29 =	vsel vm15, $0x3F800000, v0;
	[tilespmem:s11+$0x0] =	vst.add.f32.msk $0xffff, v28  }
0xd6: {  	vm4 =	vgt.f32 v3, v15;
	vm5 =	vle.f32 v3, v14;
	v30 =	vnsel vm15, $0x0, v3;
	[tilespmem:s12+$0x0] =	vst.add.f32.msk $0xffff, v29  }
0xd7: {  	vm6 =	vmand vm4, vm5;
	v31 =	vnsel vm15, $0x0, v4;
	[tilespmem:s21+$0x0] =	vst.add.f32.msk $0xffff, v30  }
0xd8: {  	v32 =	vsel vm6, $0x3F800000, v0;
	[tilespmem:s23+$0x0] =	vst.add.f32.msk $0xffff, v31  }
0xd9: {  	vm7 =	vgt.f32 v3, v14;
	vm8 =	vle.f32 v3, v13;
	v33 =	vnsel vm6, $0x0, v3;
	[tilespmem:s29+$0x0] =	vst.add.f32.msk $0xffff, v32  }
0xda: {  	v34 =	vnsel vm6, $0x0, v4;
	vm9 =	vmand vm7, vm8;
	[tilespmem:s3+$0x0] =	vst.add.f32.msk $0xffff, v33  }
0xdb: {  	v35 =	vsel vm9, $0x3F800000, v0;
	[tilespmem:s10+$0x0] =	vst.add.f32.msk $0xffff, v34  }
0xdc: {  	vm10 =	vgt.f32 v3, v13;
	vm11 =	vle.f32 v3, v12;
	v36 =	vnsel vm9, $0x0, v3;
	[tilespmem:s5+$0x0] =	vst.add.f32.msk $0xffff, v35  }
0xdd: {  	vm12 =	vmand vm10, vm11;
	v37 =	vnsel vm9, $0x0, v4;
	[tilespmem:s4+$0x0] =	vst.add.f32.msk $0xffff, v36  }
0xde: {  	v38 =	vsel vm12, $0x3F800000, v0;
	[tilespmem:s8+$0x0] =	vst.add.f32.msk $0xffff, v37  }
0xdf: {  	vm13 =	vgt.f32 v3, v12;
	vm14 =	vle.f32 v3, v11;
	v39 =	vnsel vm12, $0x0, v3;
	[tilespmem:s7+$0x0] =	vst.add.f32.msk $0xffff, v38  }
0xe0: {  	vm15 =	vmand vm13, vm14;
	v40 =	vnsel vm12, $0x0, v4;
	s3 =	simm.s32 $0x2580;
	[tilespmem:s6+$0x0] =	vst.add.f32.msk $0xffff, v39  }
0xe1: {  	v41 =	vsel vm15, $0x3F800000, v0;
	s4 =	simm.s32 $0x2680;
	[tilespmem:s3+$0x0] =	vst.add.f32.msk $0xffff, v40  }
0xe2: {  	vm4 =	vgt.f32 v3, v11;
	vm5 =	vle.f32 v3, v10;
	v42 =	vnsel vm15, $0x0, v3;
	s5 =	simm.s32 $0x2700;
	[tilespmem:s4+$0x0] =	vst.add.f32.msk $0xffff, v41  }
0xe3: {  	vm6 =	vmand vm4, vm5;
	v43 =	vnsel vm15, $0x0, v4;
	s6 =	simm.s32 $0x2780;
	[tilespmem:s5+$0x0] =	vst.add.f32.msk $0xffff, v42  }
0xe4: {  	v44 =	vsel vm6, $0x3F800000, v0;
	s7 =	simm.s32 $0x2880;
	[tilespmem:s6+$0x0] =	vst.add.f32.msk $0xffff, v43  }
0xe5: {  	vm7 =	vgt.f32 v3, v10;
	vm8 =	vle.f32 v3, v9;
	v45 =	vnsel vm6, $0x0, v3;
	s8 =	simm.s32 $0x2900;
	[tilespmem:s7+$0x0] =	vst.add.f32.msk $0xffff, v44  }
0xe6: {  	s9 =	simm.s32 $0x2980;
	v46 =	vnsel vm6, $0x0, v4;
	vm9 =	vmand vm7, vm8;
	[tilespmem:s8+$0x0] =	vst.add.f32.msk $0xffff, v45  }
0xe7: {  	v47 =	vsel vm9, $0x3F800000, v0;
	s10 =	simm.s32 $0x2A80;
	[tilespmem:s9+$0x0] =	vst.add.f32.msk $0xffff, v46  }
0xe8: {  	vm10 =	vgt.f32 v3, v9;
	vm11 =	vle.f32 v3, v8;
	v48 =	vnsel vm9, $0x0, v3;
	s11 =	simm.s32 $0x2B00;
	[tilespmem:s10+$0x0] =	vst.add.f32.msk $0xffff, v47  }
0xe9: {  	vm12 =	vmand vm10, vm11;
	v49 =	vnsel vm9, $0x0, v4;
	s12 =	simm.s32 $0x2B80;
	[tilespmem:s11+$0x0] =	vst.add.f32.msk $0xffff, v48  }
0xea: {  	v50 =	vsel vm12, $0x3F800000, v0;
	s13 =	simm.s32 $0x2C80;
	[tilespmem:s12+$0x0] =	vst.add.f32.msk $0xffff, v49  }
0xeb: {  	vm13 =	vgt.f32 v3, v8;
	vm14 =	vle.f32 v3, v7;
	v51 =	vnsel vm12, $0x0, v3;
	s14 =	simm.s32 $0x2D00;
	[tilespmem:s13+$0x0] =	vst.add.f32.msk $0xffff, v50  }
0xec: {  	vm15 =	vmand vm13, vm14;
	v52 =	vnsel vm12, $0x0, v4;
	s15 =	simm.s32 $0x2D80;
	[tilespmem:s14+$0x0] =	vst.add.f32.msk $0xffff, v51  }
0xed: {  	v53 =	vsel vm15, $0x3F800000, v0;
	s16 =	simm.s32 $0x2E80;
	[tilespmem:s15+$0x0] =	vst.add.f32.msk $0xffff, v52  }
0xee: {  	vm4 =	vgt.f32 v3, v7;
	vm5 =	vle.f32 v3, v6;
	v54 =	vnsel vm15, $0x0, v3;
	s17 =	simm.s32 $0x2F00;
	[tilespmem:s16+$0x0] =	vst.add.f32.msk $0xffff, v53  }
0xef: {  	vm6 =	vmand vm4, vm5;
	v55 =	vnsel vm15, $0x0, v4;
	s18 =	simm.s32 $0x2F80;
	[tilespmem:s17+$0x0] =	vst.add.f32.msk $0xffff, v54  }
0xf0: {  	v56 =	vsel vm6, $0x3F800000, v0;
	s19 =	simm.s32 $0x3080;
	[tilespmem:s18+$0x0] =	vst.add.f32.msk $0xffff, v55  }
0xf1: {  	vm7 =	vgt.f32 v3, v6;
	vm8 =	vle.f32 v3, v5;
	v57 =	vnsel vm6, $0x0, v3;
	s20 =	simm.s32 $0x3100;
	[tilespmem:s19+$0x0] =	vst.add.f32.msk $0xffff, v56  }
0xf2: {  	vm9 =	vmand vm7, vm8;
	v58 =	vnsel vm6, $0x0, v4;
	s21 =	simm.s32 $0x3180;
	[tilespmem:s20+$0x0] =	vst.add.f32.msk $0xffff, v57  }
0xf3: {  	s22 =	simm.s32 $0x3280;
	v59 =	vsel vm9, $0x3F800000, v0;
	[tilespmem:s21+$0x0] =	vst.add.f32.msk $0xffff, v58  }
0xf4: {  	vm10 =	vgt.f32 v3, v5;
	vm11 =	vle.f32 v3, v1;
	v60 =	vnsel vm9, $0x0, v3;
	s23 =	simm.s32 $0x3300;
	[tilespmem:s22+$0x0] =	vst.add.f32.msk $0xffff, v59  }
0xf5: {  	vm12 =	vmand vm10, vm11;
	s24 =	simm.s32 $0x3380;
	v61 =	vnsel vm9, $0x0, v4;
	[tilespmem:s23+$0x0] =	vst.add.f32.msk $0xffff, v60  }
0xf6: {  	s25 =	simm.s32 $0x3480;
	v62 =	vsel vm12, $0x3F800000, v0;
	[tilespmem:s24+$0x0] =	vst.add.f32.msk $0xffff, v61  }
0xf7: {  	vm13 =	vgt.f32 v3, v1;
	vm14 =	vle.f32 v3, v2;
	s26 =	simm.s32 $0x3500;
	v63 =	vnsel vm12, $0x0, v3;
	[tilespmem:s25+$0x0] =	vst.add.f32.msk $0xffff, v62  }
0xf8: {  	v1 =	vnsel vm12, $0x0, v4;
	vm15 =	vmand vm13, vm14;
	s28 =	simm.s32 $0x3580;
	[tilespmem:s26+$0x0] =	vst.add.f32.msk $0xffff, v63  }
0xf9: {  	v2 =	vsel vm15, $0x3F800000, v0;
	s29 =	simm.s32 $0x3680;
	s4 =	sld [smem:$0x7FD];
	[tilespmem:s28+$0x0] =	vst.add.f32.msk $0xffff, v1  }
0xfa: {  	s30 =	simm.s32 $0x3700;
	v1 =	vnsel vm15, $0x0, v3;
	[tilespmem:s29+$0x0] =	vst.add.f32.msk $0xffff, v2  }
0xfb: {  	s0 =	simm.s32 $0x1080;
	s31 =	simm.s32 $0x3780;
	s1 =	simm.s32 $0x40;
	v2 =	vnsel vm15, $0x0, v4;
	[tilespmem:s30+$0x0] =	vst.add.f32.msk $0xffff, v1  }
0xfc: {  	s2 =	simm.s32 $0x1280;
	s5 =	simm.s32 $0x0;
	s3 =	sadd.s32 $0x0, s4;
	[tilespmem:s31+$0x0] =	vst.add.f32.msk $0xffff, v2  }
.LBB2_4:
0xfd: {  	[hbm4b:s3+s5] =	stream.linear.scatter [tilespmem:s0], [sflag:$0x1], $0x180, $0x38;
	[tilespmem:$0x3880] =	vst v63  }
0xfe: {  	s3 =	smov.u32 s1;
	s0 =	smov.u32 s2;
	p0 =	sne.s32 s1, $0x4C0  }
.Ltmp1:
0xff: {  	s1 =	sadd.s32 $0x40, s1;
	(pc) =	sbr.rel @p0 .LBB2_4-.Ltmp1, $2  }
0x100: {  	_ =	sdelay $0x2  }
0x101: {  	s2 =	sadd.s32 $0x200, s2;
	s3 =	sadd.s32 s3, s4  }
0x102: {  	[hbm4b:s3+s5] =	stream.linear.scatter [tilespmem:s0], [sflag:$0x1], $0x180, $0x38;
	[tilespmem:$0x3880] =	vst v63  }
0x103: {  	s1 =	simm.s32 $0x1  }
0x104: {  	_ =	swait.ge [sflag:s1], $0x1E00  }
0x105: {  	s2 =	sld [smem:$0x7F3]  }
0x106: {  	s31 =	sld [smem:$0x7F9];
	_ =	sdelay $0x1  }
0x107: {  	s2 =	sadd.s32 $0x1, s2  }
0x108: {  	p0 =	sne.s32 s2, s31  }
.Ltmp2:
0x109: {  	_ = 	snop;
	(pc) =	sbr.rel @p0 .LBB2_1-.Ltmp2, $3  }
0x10a: {  	_ =	sdelay $0x1  }
0x10b: {  	[sflag:s1] =	ssyncset.done $0x0  }
0x10c: {  	[sflag:s1] =	ssyncadd.s32 $0xFFFFE200  }
0x10d: {  	_ =	sfence.sel $0x180000  }
0x10e: {  	[bflag:$0x0] =	sbarrier.arrive $0xFFFF  }
0x10f: {  	_ =	strace $0x90000047  }
0x110: {  	s0 =	stileid.u32;
	[bflag:$0x2] =	sbarrier.arrive $0xFFFF  }
0x111: {  	p0 =	sne.s32 s0, $0x0;
	s0 =	rddreg [dreg:$0x2]  }
0x112: {  	s0 =	sadd.s32 @!p0 $0x100000, s0  }
0x113: {  	[sflag:s0] =	ssyncadd.tile.s32 @!p0 $0x1;
	_ =	shalt  }
.Lfunc_end2:
_tile_overlayer_lowered:
.L_overlay_start_2:
0x114: {  	(tag) =	ssettag $0x2  }
0x115: {  	s0 =	rddreg [dreg:$0x0];
	s2 =	stileid.u32  }
0x116: {  	s1 =	rddreg [dreg:$0x1];
	p0 =	sne.s32 s2, $0x0  }
0x117: {  	s3 =	rddreg [dreg:$0x2];
	[bflag:$0x3] =	sbarrier.arrive $0xFFFF;
	s2 =	simm.s32 @!p0 $0x1C01  }
0x118: {  	[timem:s3], [sflag:s2] =	dma.local @!p0 [hbm:s0], s1  }
0x119: {  	s0 =	simm.s32 @!p0 $0x1  }
0x11a: {  	_ =	swait.ge @!p0 [sflag:s0], s1  }
0x11b: {  	s1 =	ssub.s32 @!p0 $0x0, s1;
	[sflag:s0] =	ssyncset.done @!p0 $0x0  }
0x11c: {  	[sflag:s0] =	ssyncadd.s32 @!p0 s1  }
0x11d: {  	[bflag:$0x3] =	sbarrier.arrive $0xFFFF  }
0x11e: {  	_ =	shalt  }

</sc_bundles>
